<compile_context>
chip_gen: v7x
topology: tpu7x:2x2x1
jax: 0.10.2.dev20260603
libtpu: 0.0.44.dev20260713+nightly
codegen_flags: <defaults>
</compile_context>

<pallas_src>
import functools

import jax
import jax.numpy as jnp
from jax import lax
from jax.experimental import pallas as pl
from jax.experimental.pallas import tpu as pltpu
from jax.experimental.pallas import tpu_sc as plsc

_N = 16384
_KB = 112
_NK = 784 // _KB
_NW = 32
_CHUNK = _N // _NW


def _tc_body(a_ref, b_ref, w_ref, bias_ref, pa_ref, pb_ref):
    i = pl.program_id(0)
    wt = w_ref[0]
    pla = lax.dot_general(wt, a_ref[...], (((1,), (0,)), ((), ())),
                          preferred_element_type=jnp.float32)
    plb = lax.dot_general(wt, b_ref[...], (((1,), (0,)), ((), ())),
                          preferred_element_type=jnp.float32)

    @pl.when(i == 0)
    def _init():
        bias = bias_ref[...]
        pa_ref[0:10, :] = pla + bias
        pb_ref[0:10, :] = plb + bias

    @pl.when(i > 0)
    def _acc():
        pa_ref[0:10, :] += pla
        pb_ref[0:10, :] += plb

    @pl.when(i == _NK - 1)
    def _finish():
        iota = lax.broadcasted_iota(jnp.int32, (10, _N), 0)
        pad = jnp.zeros((5, _N), jnp.float32)

        def softmax_argmax(logits):
            m = jnp.max(logits, axis=0, keepdims=True)
            e = jnp.exp(logits - m)
            p = e / jnp.sum(e, axis=0, keepdims=True)
            idx = jnp.min(jnp.where(logits == m, iota, 10), axis=0,
                          keepdims=True)
            return jnp.concatenate([p, idx.astype(jnp.float32), pad], axis=0)

        pa_ref[...] = softmax_argmax(pa_ref[0:10, :])
        pb_ref[...] = softmax_argmax(pb_ref[0:10, :])


@functools.partial(
    pl.kernel,
    out_type=jax.ShapeDtypeStruct((19, _N), jnp.float32),
    mesh=plsc.VectorSubcoreMesh(core_axis_name="c", subcore_axis_name="s"),
    scratch_types=[
        pltpu.VMEM((16, _CHUNK), jnp.float32),
        pltpu.VMEM((16, _CHUNK), jnp.float32),
        pltpu.VMEM((19, _CHUNK), jnp.float32),
        pltpu.SemaphoreType.DMA,
        pltpu.SemaphoreType.DMA,
    ],
    compiler_params=pltpu.CompilerParams(needs_layout_passes=False),
)
def _sc_join(a_hbm, b_hbm, out_hbm, a_v, b_v, s_v, sem_a, sem_b):
    wid = lax.axis_index("s") * 2 + lax.axis_index("c")
    base = wid * _CHUNK
    cp_a = pltpu.make_async_copy(a_hbm.at[:, pl.ds(base, _CHUNK)], a_v, sem_a)
    cp_b = pltpu.make_async_copy(b_hbm.at[:, pl.ds(base, _CHUNK)], b_v, sem_b)
    cp_a.start()
    cp_b.start()
    cp_a.wait()
    cp_b.wait()

    def group(g, carry):
        col = g * 16
        a_cols = [a_v[i, pl.ds(col, 16)] for i in range(10)]
        b_cols = [b_v[j, pl.ds(col, 16)] for j in range(10)]
        bins = [None] * 19
        for i in range(10):
            for j in range(10):
                p = a_cols[i] * b_cols[j]
                k = i + j
                bins[k] = p if bins[k] is None else bins[k] + p
        for k in range(19):
            s_v[k, pl.ds(col, 16)] = bins[k]
        return carry

    lax.fori_loop(0, _CHUNK // 16, group, 0)
    pltpu.sync_copy(s_v, out_hbm.at[:, pl.ds(base, _CHUNK)])


@jax.jit
def _run(aT, bT, wT, bias_col):
    w_steps = wT.reshape(10, _NK, _KB).transpose(1, 0, 2)
    pa, pb = pl.pallas_call(
        _tc_body,
        grid=(_NK,),
        in_specs=[
            pl.BlockSpec((_KB, _N), lambda i: (i, 0)),
            pl.BlockSpec((_KB, _N), lambda i: (i, 0)),
            pl.BlockSpec((1, 10, _KB), lambda i: (i, 0, 0)),
            pl.BlockSpec((10, 1), lambda i: (0, 0)),
        ],
        out_specs=[
            pl.BlockSpec((16, _N), lambda i: (0, 0)),
            pl.BlockSpec((16, _N), lambda i: (0, 0)),
        ],
        out_shape=[
            jax.ShapeDtypeStruct((16, _N), jnp.float32),
            jax.ShapeDtypeStruct((16, _N), jnp.float32),
        ],
        compiler_params=pltpu.CompilerParams(
            dimension_semantics=("arbitrary",),
        ),
    )(aT, bT, w_steps, bias_col)
    spT = _sc_join(pa, pb)
    ap = pa[10].astype(jnp.int32)
    bp = pb[10].astype(jnp.int32)
    return spT.T, ap, bp


def kernel(a_imgs, b_imgs, W, b):
    return _run(a_imgs.T, b_imgs.T, W.T, b.reshape(10, 1))

# --- scband reference (transcript-rebuilt; emitter-appended) ---
"""Pipeline reference for scband-mnistsum2-net-sym-24807731102159 (READ-ONLY COPY).

The authoritative reference and input builder live on the scoring server;
editing this copy changes nothing except your own understanding.
"""

import jax, jax.numpy as jnp
import numpy as np


def setup_inputs(seed: int = 0) -> dict:
    key = jax.random.key(seed)
    k1, k2, k3 = jax.random.split(key, 3)
    a_imgs = jax.random.normal(k1, (16384, 784), dtype=jnp.float32)
    b_imgs = jax.random.normal(k2, (16384, 784), dtype=jnp.float32)
    W = jax.random.normal(k3, (784, 10), dtype=jnp.float32) * 0.05
    b = jnp.zeros((10,), dtype=jnp.float32)
    return {"a_imgs": a_imgs, "b_imgs": b_imgs, "W": W, "b": b}


def reference(a_imgs, b_imgs, W, b):
    # mnist_net applied to both image batches, then softmax over 10 digits
    a_distrs = jax.nn.softmax(a_imgs @ W + b, axis=1)
    b_distrs = jax.nn.softmax(b_imgs @ W + b, axis=1)
    a_pred = jnp.argmax(a_distrs, axis=1)
    b_pred = jnp.argmax(b_distrs, axis=1)
    # Scallop rule sum_2(a+b) :- digit_1(a), digit_2(b) under probabilistic
    # semiring: P(sum = s) = sum_{a+b=s} P(digit_1=a) * P(digit_2=b)
    sum_ids = (jnp.arange(10)[:, None] + jnp.arange(10)[None, :]).reshape(-1)
    pairwise = (a_distrs[:, :, None] * b_distrs[:, None, :]).reshape(-1, 100)
    # scatter-add the 100 joint probabilities into 19 sum bins (SparseCore segment_sum)
    sum_probs = jax.ops.segment_sum(pairwise.T, sum_ids, num_segments=19).T
    return (sum_probs, a_pred, b_pred)

if __name__ == "__main__":
    import jax
    _d = setup_inputs()
    print(jax.jit(kernel)(*tuple(_d.values())))

</pallas_src>

<mosaic_0001>
#map = affine_map<(d0, d1) -> (0, 0)>
module attributes {stable_mosaic.version = 14 : i64} {
  func.func @_sc_join(%arg0: i32, %arg1: i32, %arg2: memref<16x16384xf32, #tpu.memory_space<hbm>>, %arg3: memref<16x16384xf32, #tpu.memory_space<hbm>>, %arg4: memref<19x16384xf32, #tpu.memory_space<hbm>>, %arg5: memref<16x512xf32, #tpu.memory_space<vmem>>, %arg6: memref<16x512xf32, #tpu.memory_space<vmem>>, %arg7: memref<19x512xf32, #tpu.memory_space<vmem>>, %arg8: memref<!tpu.dma_semaphore, #tpu.memory_space<semaphore_mem>>, %arg9: memref<!tpu.dma_semaphore, #tpu.memory_space<semaphore_mem>>) attributes {dimension_semantics = [#tpu.dimension_semantics<core_parallel>, #tpu.dimension_semantics<subcore_parallel>], iteration_bounds = array<i64: 2, 16>, scalar_prefetch = 0 : i64, scratch_operands = 5 : i64, tpu.core_type = #tpu.core_type<sc_vector_subcore>, window_params = [{transform_indices = #map}, {transform_indices = #map}, {transform_indices = #map}]} {
    %mul3A = arith.constant 2 : i32
    %mul3A_0 = arith.muli %arg1, %mul3A : i32
    %add3A = arith.addi %mul3A_0, %arg0 : i32
    %mul3A_1 = arith.constant 512 : i32
    %mul3A_2 = arith.muli %add3A, %mul3A_1 : i32
    %dma_start3A = arith.constant 0 : i32
    %dma_start3A_3 = tpu.memref_slice %arg2[%dma_start3A, %mul3A_2] : memref<16x16384xf32, #tpu.memory_space<hbm>> -> memref<16x512xf32, #tpu.memory_space<hbm>>
    %dma_start3A_4 = arith.constant 0 : i32
    %dma_start3A_5 = tpu.memref_slice %arg2[%dma_start3A_4, %mul3A_2] : memref<16x16384xf32, #tpu.memory_space<hbm>> -> memref<16x512xf32, #tpu.memory_space<hbm>>
    tpu.enqueue_dma source(%dma_start3A_5 : memref<16x512xf32, #tpu.memory_space<hbm>>) target(%arg5 : memref<16x512xf32, #tpu.memory_space<vmem>>) target_semaphore(%arg8 : memref<!tpu.dma_semaphore, #tpu.memory_space<semaphore_mem>>)
    %dma_start3A_6 = arith.constant 0 : i32
    %dma_start3A_7 = tpu.memref_slice %arg3[%dma_start3A_6, %mul3A_2] : memref<16x16384xf32, #tpu.memory_space<hbm>> -> memref<16x512xf32, #tpu.memory_space<hbm>>
    %dma_start3A_8 = arith.constant 0 : i32
    %dma_start3A_9 = tpu.memref_slice %arg3[%dma_start3A_8, %mul3A_2] : memref<16x16384xf32, #tpu.memory_space<hbm>> -> memref<16x512xf32, #tpu.memory_space<hbm>>
    tpu.enqueue_dma source(%dma_start3A_9 : memref<16x512xf32, #tpu.memory_space<hbm>>) target(%arg6 : memref<16x512xf32, #tpu.memory_space<vmem>>) target_semaphore(%arg9 : memref<!tpu.dma_semaphore, #tpu.memory_space<semaphore_mem>>)
    %dma_wait3A = arith.constant 0 : i32
    %dma_wait3A_10 = tpu.memref_slice %arg2[%dma_wait3A, %mul3A_2] : memref<16x16384xf32, #tpu.memory_space<hbm>> -> memref<16x512xf32, #tpu.memory_space<hbm>>
    %dma_wait3A_11 = arith.constant 0 : i32
    %dma_wait3A_12 = tpu.memref_slice %arg2[%dma_wait3A_11, %mul3A_2] : memref<16x16384xf32, #tpu.memory_space<hbm>> -> memref<16x512xf32, #tpu.memory_space<hbm>>
    tpu.wait_dma2 semaphore(%arg8 : memref<!tpu.dma_semaphore, #tpu.memory_space<semaphore_mem>>) src(%dma_wait3A_12 : memref<16x512xf32, #tpu.memory_space<hbm>>) dst(%arg5 : memref<16x512xf32, #tpu.memory_space<vmem>>)
    %dma_wait3A_13 = arith.constant 0 : i32
    %dma_wait3A_14 = tpu.memref_slice %arg3[%dma_wait3A_13, %mul3A_2] : memref<16x16384xf32, #tpu.memory_space<hbm>> -> memref<16x512xf32, #tpu.memory_space<hbm>>
    %dma_wait3A_15 = arith.constant 0 : i32
    %dma_wait3A_16 = tpu.memref_slice %arg3[%dma_wait3A_15, %mul3A_2] : memref<16x16384xf32, #tpu.memory_space<hbm>> -> memref<16x512xf32, #tpu.memory_space<hbm>>
    tpu.wait_dma2 semaphore(%arg9 : memref<!tpu.dma_semaphore, #tpu.memory_space<semaphore_mem>>) src(%dma_wait3A_16 : memref<16x512xf32, #tpu.memory_space<hbm>>) dst(%arg6 : memref<16x512xf32, #tpu.memory_space<vmem>>)
    %scan3A = arith.constant 0 : i32
    %scan3A_17 = arith.constant 0 : i32
    %scan3A_18 = arith.constant 32 : i32
    %scan3A_19 = arith.addi %scan3A_17, %scan3A_18 : i32
    %scan3A_20 = arith.constant 1 : i32
    scf.for %scan3A_22 = %scan3A_17 to %scan3A_19 step %scan3A_20  : i32 {
      %mul3A_23 = arith.constant 16 : i32
      %mul3A_24 = arith.muli %scan3A_22, %mul3A_23 : i32
      %get3A = arith.constant 0 : i32
      %get3A_25 = arith.index_cast %get3A : i32 to index
      %get3A_26 = arith.index_cast %mul3A_24 : i32 to index
      %get3A_27 = tpu.vector_load %arg5[%get3A_25, %get3A_26] {strides = array<i32>} : memref<16x512xf32, #tpu.memory_space<vmem>>, vector<16xf32>,
      %get3A_28 = arith.constant 1 : i32
      %get3A_29 = arith.index_cast %get3A_28 : i32 to index
      %get3A_30 = arith.index_cast %mul3A_24 : i32 to index
      %get3A_31 = tpu.vector_load %arg5[%get3A_29, %get3A_30] {strides = array<i32>} : memref<16x512xf32, #tpu.memory_space<vmem>>, vector<16xf32>,
      %get3A_32 = arith.constant 2 : i32
      %get3A_33 = arith.index_cast %get3A_32 : i32 to index
      %get3A_34 = arith.index_cast %mul3A_24 : i32 to index
      %get3A_35 = tpu.vector_load %arg5[%get3A_33, %get3A_34] {strides = array<i32>} : memref<16x512xf32, #tpu.memory_space<vmem>>, vector<16xf32>,
      %get3A_36 = arith.constant 3 : i32
      %get3A_37 = arith.index_cast %get3A_36 : i32 to index
      %get3A_38 = arith.index_cast %mul3A_24 : i32 to index
      %get3A_39 = tpu.vector_load %arg5[%get3A_37, %get3A_38] {strides = array<i32>} : memref<16x512xf32, #tpu.memory_space<vmem>>, vector<16xf32>,
      %get3A_40 = arith.constant 4 : i32
      %get3A_41 = arith.index_cast %get3A_40 : i32 to index
      %get3A_42 = arith.index_cast %mul3A_24 : i32 to index
      %get3A_43 = tpu.vector_load %arg5[%get3A_41, %get3A_42] {strides = array<i32>} : memref<16x512xf32, #tpu.memory_space<vmem>>, vector<16xf32>,
      %get3A_44 = arith.constant 5 : i32
      %get3A_45 = arith.index_cast %get3A_44 : i32 to index
      %get3A_46 = arith.index_cast %mul3A_24 : i32 to index
      %get3A_47 = tpu.vector_load %arg5[%get3A_45, %get3A_46] {strides = array<i32>} : memref<16x512xf32, #tpu.memory_space<vmem>>, vector<16xf32>,
      %get3A_48 = arith.constant 6 : i32
      %get3A_49 = arith.index_cast %get3A_48 : i32 to index
      %get3A_50 = arith.index_cast %mul3A_24 : i32 to index
      %get3A_51 = tpu.vector_load %arg5[%get3A_49, %get3A_50] {strides = array<i32>} : memref<16x512xf32, #tpu.memory_space<vmem>>, vector<16xf32>,
      %get3A_52 = arith.constant 7 : i32
      %get3A_53 = arith.index_cast %get3A_52 : i32 to index
      %get3A_54 = arith.index_cast %mul3A_24 : i32 to index
      %get3A_55 = tpu.vector_load %arg5[%get3A_53, %get3A_54] {strides = array<i32>} : memref<16x512xf32, #tpu.memory_space<vmem>>, vector<16xf32>,
      %get3A_56 = arith.constant 8 : i32
      %get3A_57 = arith.index_cast %get3A_56 : i32 to index
      %get3A_58 = arith.index_cast %mul3A_24 : i32 to index
      %get3A_59 = tpu.vector_load %arg5[%get3A_57, %get3A_58] {strides = array<i32>} : memref<16x512xf32, #tpu.memory_space<vmem>>, vector<16xf32>,
      %get3A_60 = arith.constant 9 : i32
      %get3A_61 = arith.index_cast %get3A_60 : i32 to index
      %get3A_62 = arith.index_cast %mul3A_24 : i32 to index
      %get3A_63 = tpu.vector_load %arg5[%get3A_61, %get3A_62] {strides = array<i32>} : memref<16x512xf32, #tpu.memory_space<vmem>>, vector<16xf32>,
      %get3A_64 = arith.constant 0 : i32
      %get3A_65 = arith.index_cast %get3A_64 : i32 to index
      %get3A_66 = arith.index_cast %mul3A_24 : i32 to index
      %get3A_67 = tpu.vector_load %arg6[%get3A_65, %get3A_66] {strides = array<i32>} : memref<16x512xf32, #tpu.memory_space<vmem>>, vector<16xf32>,
      %get3A_68 = arith.constant 1 : i32
      %get3A_69 = arith.index_cast %get3A_68 : i32 to index
      %get3A_70 = arith.index_cast %mul3A_24 : i32 to index
      %get3A_71 = tpu.vector_load %arg6[%get3A_69, %get3A_70] {strides = array<i32>} : memref<16x512xf32, #tpu.memory_space<vmem>>, vector<16xf32>,
      %get3A_72 = arith.constant 2 : i32
      %get3A_73 = arith.index_cast %get3A_72 : i32 to index
      %get3A_74 = arith.index_cast %mul3A_24 : i32 to index
      %get3A_75 = tpu.vector_load %arg6[%get3A_73, %get3A_74] {strides = array<i32>} : memref<16x512xf32, #tpu.memory_space<vmem>>, vector<16xf32>,
      %get3A_76 = arith.constant 3 : i32
      %get3A_77 = arith.index_cast %get3A_76 : i32 to index
      %get3A_78 = arith.index_cast %mul3A_24 : i32 to index
      %get3A_79 = tpu.vector_load %arg6[%get3A_77, %get3A_78] {strides = array<i32>} : memref<16x512xf32, #tpu.memory_space<vmem>>, vector<16xf32>,
      %get3A_80 = arith.constant 4 : i32
      %get3A_81 = arith.index_cast %get3A_80 : i32 to index
      %get3A_82 = arith.index_cast %mul3A_24 : i32 to index
      %get3A_83 = tpu.vector_load %arg6[%get3A_81, %get3A_82] {strides = array<i32>} : memref<16x512xf32, #tpu.memory_space<vmem>>, vector<16xf32>,
      %get3A_84 = arith.constant 5 : i32
      %get3A_85 = arith.index_cast %get3A_84 : i32 to index
      %get3A_86 = arith.index_cast %mul3A_24 : i32 to index
      %get3A_87 = tpu.vector_load %arg6[%get3A_85, %get3A_86] {strides = array<i32>} : memref<16x512xf32, #tpu.memory_space<vmem>>, vector<16xf32>,
      %get3A_88 = arith.constant 6 : i32
      %get3A_89 = arith.index_cast %get3A_88 : i32 to index
      %get3A_90 = arith.index_cast %mul3A_24 : i32 to index
      %get3A_91 = tpu.vector_load %arg6[%get3A_89, %get3A_90] {strides = array<i32>} : memref<16x512xf32, #tpu.memory_space<vmem>>, vector<16xf32>,
      %get3A_92 = arith.constant 7 : i32
      %get3A_93 = arith.index_cast %get3A_92 : i32 to index
      %get3A_94 = arith.index_cast %mul3A_24 : i32 to index
      %get3A_95 = tpu.vector_load %arg6[%get3A_93, %get3A_94] {strides = array<i32>} : memref<16x512xf32, #tpu.memory_space<vmem>>, vector<16xf32>,
      %get3A_96 = arith.constant 8 : i32
      %get3A_97 = arith.index_cast %get3A_96 : i32 to index
      %get3A_98 = arith.index_cast %mul3A_24 : i32 to index
      %get3A_99 = tpu.vector_load %arg6[%get3A_97, %get3A_98] {strides = array<i32>} : memref<16x512xf32, #tpu.memory_space<vmem>>, vector<16xf32>,
      %get3A_100 = arith.constant 9 : i32
      %get3A_101 = arith.index_cast %get3A_100 : i32 to index
      %get3A_102 = arith.index_cast %mul3A_24 : i32 to index
      %get3A_103 = tpu.vector_load %arg6[%get3A_101, %get3A_102] {strides = array<i32>} : memref<16x512xf32, #tpu.memory_space<vmem>>, vector<16xf32>,
      %mul3A_104 = arith.mulf %get3A_27, %get3A_67 : vector<16xf32>
      %mul3A_105 = arith.mulf %get3A_27, %get3A_71 : vector<16xf32>
      %mul3A_106 = arith.mulf %get3A_27, %get3A_75 : vector<16xf32>
      %mul3A_107 = arith.mulf %get3A_27, %get3A_79 : vector<16xf32>
      %mul3A_108 = arith.mulf %get3A_27, %get3A_83 : vector<16xf32>
      %mul3A_109 = arith.mulf %get3A_27, %get3A_87 : vector<16xf32>
      %mul3A_110 = arith.mulf %get3A_27, %get3A_91 : vector<16xf32>
      %mul3A_111 = arith.mulf %get3A_27, %get3A_95 : vector<16xf32>
      %mul3A_112 = arith.mulf %get3A_27, %get3A_99 : vector<16xf32>
      %mul3A_113 = arith.mulf %get3A_27, %get3A_103 : vector<16xf32>
      %mul3A_114 = arith.mulf %get3A_31, %get3A_67 : vector<16xf32>
      %add3A_115 = arith.addf %mul3A_105, %mul3A_114 : vector<16xf32>
      %mul3A_116 = arith.mulf %get3A_31, %get3A_71 : vector<16xf32>
      %add3A_117 = arith.addf %mul3A_106, %mul3A_116 : vector<16xf32>
      %mul3A_118 = arith.mulf %get3A_31, %get3A_75 : vector<16xf32>
      %add3A_119 = arith.addf %mul3A_107, %mul3A_118 : vector<16xf32>
      %mul3A_120 = arith.mulf %get3A_31, %get3A_79 : vector<16xf32>
      %add3A_121 = arith.addf %mul3A_108, %mul3A_120 : vector<16xf32>
      %mul3A_122 = arith.mulf %get3A_31, %get3A_83 : vector<16xf32>
      %add3A_123 = arith.addf %mul3A_109, %mul3A_122 : vector<16xf32>
      %mul3A_124 = arith.mulf %get3A_31, %get3A_87 : vector<16xf32>
      %add3A_125 = arith.addf %mul3A_110, %mul3A_124 : vector<16xf32>
      %mul3A_126 = arith.mulf %get3A_31, %get3A_91 : vector<16xf32>
      %add3A_127 = arith.addf %mul3A_111, %mul3A_126 : vector<16xf32>
      %mul3A_128 = arith.mulf %get3A_31, %get3A_95 : vector<16xf32>
      %add3A_129 = arith.addf %mul3A_112, %mul3A_128 : vector<16xf32>
      %mul3A_130 = arith.mulf %get3A_31, %get3A_99 : vector<16xf32>
      %add3A_131 = arith.addf %mul3A_113, %mul3A_130 : vector<16xf32>
      %mul3A_132 = arith.mulf %get3A_31, %get3A_103 : vector<16xf32>
      %mul3A_133 = arith.mulf %get3A_35, %get3A_67 : vector<16xf32>
      %add3A_134 = arith.addf %add3A_117, %mul3A_133 : vector<16xf32>
      %mul3A_135 = arith.mulf %get3A_35, %get3A_71 : vector<16xf32>
      %add3A_136 = arith.addf %add3A_119, %mul3A_135 : vector<16xf32>
      %mul3A_137 = arith.mulf %get3A_35, %get3A_75 : vector<16xf32>
      %add3A_138 = arith.addf %add3A_121, %mul3A_137 : vector<16xf32>
      %mul3A_139 = arith.mulf %get3A_35, %get3A_79 : vector<16xf32>
      %add3A_140 = arith.addf %add3A_123, %mul3A_139 : vector<16xf32>
      %mul3A_141 = arith.mulf %get3A_35, %get3A_83 : vector<16xf32>
      %add3A_142 = arith.addf %add3A_125, %mul3A_141 : vector<16xf32>
      %mul3A_143 = arith.mulf %get3A_35, %get3A_87 : vector<16xf32>
      %add3A_144 = arith.addf %add3A_127, %mul3A_143 : vector<16xf32>
      %mul3A_145 = arith.mulf %get3A_35, %get3A_91 : vector<16xf32>
      %add3A_146 = arith.addf %add3A_129, %mul3A_145 : vector<16xf32>
      %mul3A_147 = arith.mulf %get3A_35, %get3A_95 : vector<16xf32>
      %add3A_148 = arith.addf %add3A_131, %mul3A_147 : vector<16xf32>
      %mul3A_149 = arith.mulf %get3A_35, %get3A_99 : vector<16xf32>
      %add3A_150 = arith.addf %mul3A_132, %mul3A_149 : vector<16xf32>
      %mul3A_151 = arith.mulf %get3A_35, %get3A_103 : vector<16xf32>
      %mul3A_152 = arith.mulf %get3A_39, %get3A_67 : vector<16xf32>
      %add3A_153 = arith.addf %add3A_136, %mul3A_152 : vector<16xf32>
      %mul3A_154 = arith.mulf %get3A_39, %get3A_71 : vector<16xf32>
      %add3A_155 = arith.addf %add3A_138, %mul3A_154 : vector<16xf32>
      %mul3A_156 = arith.mulf %get3A_39, %get3A_75 : vector<16xf32>
      %add3A_157 = arith.addf %add3A_140, %mul3A_156 : vector<16xf32>
      %mul3A_158 = arith.mulf %get3A_39, %get3A_79 : vector<16xf32>
      %add3A_159 = arith.addf %add3A_142, %mul3A_158 : vector<16xf32>
      %mul3A_160 = arith.mulf %get3A_39, %get3A_83 : vector<16xf32>
      %add3A_161 = arith.addf %add3A_144, %mul3A_160 : vector<16xf32>
      %mul3A_162 = arith.mulf %get3A_39, %get3A_87 : vector<16xf32>
      %add3A_163 = arith.addf %add3A_146, %mul3A_162 : vector<16xf32>
      %mul3A_164 = arith.mulf %get3A_39, %get3A_91 : vector<16xf32>
      %add3A_165 = arith.addf %add3A_148, %mul3A_164 : vector<16xf32>
      %mul3A_166 = arith.mulf %get3A_39, %get3A_95 : vector<16xf32>
      %add3A_167 = arith.addf %add3A_150, %mul3A_166 : vector<16xf32>
      %mul3A_168 = arith.mulf %get3A_39, %get3A_99 : vector<16xf32>
      %add3A_169 = arith.addf %mul3A_151, %mul3A_168 : vector<16xf32>
      %mul3A_170 = arith.mulf %get3A_39, %get3A_103 : vector<16xf32>
      %mul3A_171 = arith.mulf %get3A_43, %get3A_67 : vector<16xf32>
      %add3A_172 = arith.addf %add3A_155, %mul3A_171 : vector<16xf32>
      %mul3A_173 = arith.mulf %get3A_43, %get3A_71 : vector<16xf32>
      %add3A_174 = arith.addf %add3A_157, %mul3A_173 : vector<16xf32>
      %mul3A_175 = arith.mulf %get3A_43, %get3A_75 : vector<16xf32>
      %add3A_176 = arith.addf %add3A_159, %mul3A_175 : vector<16xf32>
      %mul3A_177 = arith.mulf %get3A_43, %get3A_79 : vector<16xf32>
      %add3A_178 = arith.addf %add3A_161, %mul3A_177 : vector<16xf32>
      %mul3A_179 = arith.mulf %get3A_43, %get3A_83 : vector<16xf32>
      %add3A_180 = arith.addf %add3A_163, %mul3A_179 : vector<16xf32>
      %mul3A_181 = arith.mulf %get3A_43, %get3A_87 : vector<16xf32>
      %add3A_182 = arith.addf %add3A_165, %mul3A_181 : vector<16xf32>
      %mul3A_183 = arith.mulf %get3A_43, %get3A_91 : vector<16xf32>
      %add3A_184 = arith.addf %add3A_167, %mul3A_183 : vector<16xf32>
      %mul3A_185 = arith.mulf %get3A_43, %get3A_95 : vector<16xf32>
      %add3A_186 = arith.addf %add3A_169, %mul3A_185 : vector<16xf32>
      %mul3A_187 = arith.mulf %get3A_43, %get3A_99 : vector<16xf32>
      %add3A_188 = arith.addf %mul3A_170, %mul3A_187 : vector<16xf32>
      %mul3A_189 = arith.mulf %get3A_43, %get3A_103 : vector<16xf32>
      %mul3A_190 = arith.mulf %get3A_47, %get3A_67 : vector<16xf32>
      %add3A_191 = arith.addf %add3A_174, %mul3A_190 : vector<16xf32>
      %mul3A_192 = arith.mulf %get3A_47, %get3A_71 : vector<16xf32>
      %add3A_193 = arith.addf %add3A_176, %mul3A_192 : vector<16xf32>
      %mul3A_194 = arith.mulf %get3A_47, %get3A_75 : vector<16xf32>
      %add3A_195 = arith.addf %add3A_178, %mul3A_194 : vector<16xf32>
      %mul3A_196 = arith.mulf %get3A_47, %get3A_79 : vector<16xf32>
      %add3A_197 = arith.addf %add3A_180, %mul3A_196 : vector<16xf32>
      %mul3A_198 = arith.mulf %get3A_47, %get3A_83 : vector<16xf32>
      %add3A_199 = arith.addf %add3A_182, %mul3A_198 : vector<16xf32>
      %mul3A_200 = arith.mulf %get3A_47, %get3A_87 : vector<16xf32>
      %add3A_201 = arith.addf %add3A_184, %mul3A_200 : vector<16xf32>
      %mul3A_202 = arith.mulf %get3A_47, %get3A_91 : vector<16xf32>
      %add3A_203 = arith.addf %add3A_186, %mul3A_202 : vector<16xf32>
      %mul3A_204 = arith.mulf %get3A_47, %get3A_95 : vector<16xf32>
      %add3A_205 = arith.addf %add3A_188, %mul3A_204 : vector<16xf32>
      %mul3A_206 = arith.mulf %get3A_47, %get3A_99 : vector<16xf32>
      %add3A_207 = arith.addf %mul3A_189, %mul3A_206 : vector<16xf32>
      %mul3A_208 = arith.mulf %get3A_47, %get3A_103 : vector<16xf32>
      %mul3A_209 = arith.mulf %get3A_51, %get3A_67 : vector<16xf32>
      %add3A_210 = arith.addf %add3A_193, %mul3A_209 : vector<16xf32>
      %mul3A_211 = arith.mulf %get3A_51, %get3A_71 : vector<16xf32>
      %add3A_212 = arith.addf %add3A_195, %mul3A_211 : vector<16xf32>
      %mul3A_213 = arith.mulf %get3A_51, %get3A_75 : vector<16xf32>
      %add3A_214 = arith.addf %add3A_197, %mul3A_213 : vector<16xf32>
      %mul3A_215 = arith.mulf %get3A_51, %get3A_79 : vector<16xf32>
      %add3A_216 = arith.addf %add3A_199, %mul3A_215 : vector<16xf32>
      %mul3A_217 = arith.mulf %get3A_51, %get3A_83 : vector<16xf32>
      %add3A_218 = arith.addf %add3A_201, %mul3A_217 : vector<16xf32>
      %mul3A_219 = arith.mulf %get3A_51, %get3A_87 : vector<16xf32>
      %add3A_220 = arith.addf %add3A_203, %mul3A_219 : vector<16xf32>
      %mul3A_221 = arith.mulf %get3A_51, %get3A_91 : vector<16xf32>
      %add3A_222 = arith.addf %add3A_205, %mul3A_221 : vector<16xf32>
      %mul3A_223 = arith.mulf %get3A_51, %get3A_95 : vector<16xf32>
      %add3A_224 = arith.addf %add3A_207, %mul3A_223 : vector<16xf32>
      %mul3A_225 = arith.mulf %get3A_51, %get3A_99 : vector<16xf32>
      %add3A_226 = arith.addf %mul3A_208, %mul3A_225 : vector<16xf32>
      %mul3A_227 = arith.mulf %get3A_51, %get3A_103 : vector<16xf32>
      %mul3A_228 = arith.mulf %get3A_55, %get3A_67 : vector<16xf32>
      %add3A_229 = arith.addf %add3A_212, %mul3A_228 : vector<16xf32>
      %mul3A_230 = arith.mulf %get3A_55, %get3A_71 : vector<16xf32>
      %add3A_231 = arith.addf %add3A_214, %mul3A_230 : vector<16xf32>
      %mul3A_232 = arith.mulf %get3A_55, %get3A_75 : vector<16xf32>
      %add3A_233 = arith.addf %add3A_216, %mul3A_232 : vector<16xf32>
      %mul3A_234 = arith.mulf %get3A_55, %get3A_79 : vector<16xf32>
      %add3A_235 = arith.addf %add3A_218, %mul3A_234 : vector<16xf32>
      %mul3A_236 = arith.mulf %get3A_55, %get3A_83 : vector<16xf32>
      %add3A_237 = arith.addf %add3A_220, %mul3A_236 : vector<16xf32>
      %mul3A_238 = arith.mulf %get3A_55, %get3A_87 : vector<16xf32>
      %add3A_239 = arith.addf %add3A_222, %mul3A_238 : vector<16xf32>
      %mul3A_240 = arith.mulf %get3A_55, %get3A_91 : vector<16xf32>
      %add3A_241 = arith.addf %add3A_224, %mul3A_240 : vector<16xf32>
      %mul3A_242 = arith.mulf %get3A_55, %get3A_95 : vector<16xf32>
      %add3A_243 = arith.addf %add3A_226, %mul3A_242 : vector<16xf32>
      %mul3A_244 = arith.mulf %get3A_55, %get3A_99 : vector<16xf32>
      %add3A_245 = arith.addf %mul3A_227, %mul3A_244 : vector<16xf32>
      %mul3A_246 = arith.mulf %get3A_55, %get3A_103 : vector<16xf32>
      %mul3A_247 = arith.mulf %get3A_59, %get3A_67 : vector<16xf32>
      %add3A_248 = arith.addf %add3A_231, %mul3A_247 : vector<16xf32>
      %mul3A_249 = arith.mulf %get3A_59, %get3A_71 : vector<16xf32>
      %add3A_250 = arith.addf %add3A_233, %mul3A_249 : vector<16xf32>
      %mul3A_251 = arith.mulf %get3A_59, %get3A_75 : vector<16xf32>
      %add3A_252 = arith.addf %add3A_235, %mul3A_251 : vector<16xf32>
      %mul3A_253 = arith.mulf %get3A_59, %get3A_79 : vector<16xf32>
      %add3A_254 = arith.addf %add3A_237, %mul3A_253 : vector<16xf32>
      %mul3A_255 = arith.mulf %get3A_59, %get3A_83 : vector<16xf32>
      %add3A_256 = arith.addf %add3A_239, %mul3A_255 : vector<16xf32>
      %mul3A_257 = arith.mulf %get3A_59, %get3A_87 : vector<16xf32>
      %add3A_258 = arith.addf %add3A_241, %mul3A_257 : vector<16xf32>
      %mul3A_259 = arith.mulf %get3A_59, %get3A_91 : vector<16xf32>
      %add3A_260 = arith.addf %add3A_243, %mul3A_259 : vector<16xf32>
      %mul3A_261 = arith.mulf %get3A_59, %get3A_95 : vector<16xf32>
      %add3A_262 = arith.addf %add3A_245, %mul3A_261 : vector<16xf32>
      %mul3A_263 = arith.mulf %get3A_59, %get3A_99 : vector<16xf32>
      %add3A_264 = arith.addf %mul3A_246, %mul3A_263 : vector<16xf32>
      %mul3A_265 = arith.mulf %get3A_59, %get3A_103 : vector<16xf32>
      %mul3A_266 = arith.mulf %get3A_63, %get3A_67 : vector<16xf32>
      %add3A_267 = arith.addf %add3A_250, %mul3A_266 : vector<16xf32>
      %mul3A_268 = arith.mulf %get3A_63, %get3A_71 : vector<16xf32>
      %add3A_269 = arith.addf %add3A_252, %mul3A_268 : vector<16xf32>
      %mul3A_270 = arith.mulf %get3A_63, %get3A_75 : vector<16xf32>
      %add3A_271 = arith.addf %add3A_254, %mul3A_270 : vector<16xf32>
      %mul3A_272 = arith.mulf %get3A_63, %get3A_79 : vector<16xf32>
      %add3A_273 = arith.addf %add3A_256, %mul3A_272 : vector<16xf32>
      %mul3A_274 = arith.mulf %get3A_63, %get3A_83 : vector<16xf32>
      %add3A_275 = arith.addf %add3A_258, %mul3A_274 : vector<16xf32>
      %mul3A_276 = arith.mulf %get3A_63, %get3A_87 : vector<16xf32>
      %add3A_277 = arith.addf %add3A_260, %mul3A_276 : vector<16xf32>
      %mul3A_278 = arith.mulf %get3A_63, %get3A_91 : vector<16xf32>
      %add3A_279 = arith.addf %add3A_262, %mul3A_278 : vector<16xf32>
      %mul3A_280 = arith.mulf %get3A_63, %get3A_95 : vector<16xf32>
      %add3A_281 = arith.addf %add3A_264, %mul3A_280 : vector<16xf32>
      %mul3A_282 = arith.mulf %get3A_63, %get3A_99 : vector<16xf32>
      %add3A_283 = arith.addf %mul3A_265, %mul3A_282 : vector<16xf32>
      %mul3A_284 = arith.mulf %get3A_63, %get3A_103 : vector<16xf32>
      %swap3A = arith.constant 0 : i32
      %swap3A_285 = arith.index_cast %swap3A : i32 to index
      %swap3A_286 = arith.index_cast %mul3A_24 : i32 to index
      %swap3A_287 = tpu.vector_load %arg7[%swap3A_285, %swap3A_286] {strides = array<i32>} : memref<19x512xf32, #tpu.memory_space<vmem>>, vector<16xf32>,
      tpu.vector_store %arg7[%swap3A_285, %swap3A_286], %mul3A_104 {strides = array<i32>} : memref<19x512xf32, #tpu.memory_space<vmem>>, vector<16xf32>,
      %swap3A_288 = arith.constant 1 : i32
      %swap3A_289 = arith.index_cast %swap3A_288 : i32 to index
      %swap3A_290 = arith.index_cast %mul3A_24 : i32 to index
      %swap3A_291 = tpu.vector_load %arg7[%swap3A_289, %swap3A_290] {strides = array<i32>} : memref<19x512xf32, #tpu.memory_space<vmem>>, vector<16xf32>,
      tpu.vector_store %arg7[%swap3A_289, %swap3A_290], %add3A_115 {strides = array<i32>} : memref<19x512xf32, #tpu.memory_space<vmem>>, vector<16xf32>,
      %swap3A_292 = arith.constant 2 : i32
      %swap3A_293 = arith.index_cast %swap3A_292 : i32 to index
      %swap3A_294 = arith.index_cast %mul3A_24 : i32 to index
      %swap3A_295 = tpu.vector_load %arg7[%swap3A_293, %swap3A_294] {strides = array<i32>} : memref<19x512xf32, #tpu.memory_space<vmem>>, vector<16xf32>,
      tpu.vector_store %arg7[%swap3A_293, %swap3A_294], %add3A_134 {strides = array<i32>} : memref<19x512xf32, #tpu.memory_space<vmem>>, vector<16xf32>,
      %swap3A_296 = arith.constant 3 : i32
      %swap3A_297 = arith.index_cast %swap3A_296 : i32 to index
      %swap3A_298 = arith.index_cast %mul3A_24 : i32 to index
      %swap3A_299 = tpu.vector_load %arg7[%swap3A_297, %swap3A_298] {strides = array<i32>} : memref<19x512xf32, #tpu.memory_space<vmem>>, vector<16xf32>,
      tpu.vector_store %arg7[%swap3A_297, %swap3A_298], %add3A_153 {strides = array<i32>} : memref<19x512xf32, #tpu.memory_space<vmem>>, vector<16xf32>,
      %swap3A_300 = arith.constant 4 : i32
      %swap3A_301 = arith.index_cast %swap3A_300 : i32 to index
      %swap3A_302 = arith.index_cast %mul3A_24 : i32 to index
      %swap3A_303 = tpu.vector_load %arg7[%swap3A_301, %swap3A_302] {strides = array<i32>} : memref<19x512xf32, #tpu.memory_space<vmem>>, vector<16xf32>,
      tpu.vector_store %arg7[%swap3A_301, %swap3A_302], %add3A_172 {strides = array<i32>} : memref<19x512xf32, #tpu.memory_space<vmem>>, vector<16xf32>,
      %swap3A_304 = arith.constant 5 : i32
      %swap3A_305 = arith.index_cast %swap3A_304 : i32 to index
      %swap3A_306 = arith.index_cast %mul3A_24 : i32 to index
      %swap3A_307 = tpu.vector_load %arg7[%swap3A_305, %swap3A_306] {strides = array<i32>} : memref<19x512xf32, #tpu.memory_space<vmem>>, vector<16xf32>,
      tpu.vector_store %arg7[%swap3A_305, %swap3A_306], %add3A_191 {strides = array<i32>} : memref<19x512xf32, #tpu.memory_space<vmem>>, vector<16xf32>,
      %swap3A_308 = arith.constant 6 : i32
      %swap3A_309 = arith.index_cast %swap3A_308 : i32 to index
      %swap3A_310 = arith.index_cast %mul3A_24 : i32 to index
      %swap3A_311 = tpu.vector_load %arg7[%swap3A_309, %swap3A_310] {strides = array<i32>} : memref<19x512xf32, #tpu.memory_space<vmem>>, vector<16xf32>,
      tpu.vector_store %arg7[%swap3A_309, %swap3A_310], %add3A_210 {strides = array<i32>} : memref<19x512xf32, #tpu.memory_space<vmem>>, vector<16xf32>,
      %swap3A_312 = arith.constant 7 : i32
      %swap3A_313 = arith.index_cast %swap3A_312 : i32 to index
      %swap3A_314 = arith.index_cast %mul3A_24 : i32 to index
      %swap3A_315 = tpu.vector_load %arg7[%swap3A_313, %swap3A_314] {strides = array<i32>} : memref<19x512xf32, #tpu.memory_space<vmem>>, vector<16xf32>,
      tpu.vector_store %arg7[%swap3A_313, %swap3A_314], %add3A_229 {strides = array<i32>} : memref<19x512xf32, #tpu.memory_space<vmem>>, vector<16xf32>,
      %swap3A_316 = arith.constant 8 : i32
      %swap3A_317 = arith.index_cast %swap3A_316 : i32 to index
      %swap3A_318 = arith.index_cast %mul3A_24 : i32 to index
      %swap3A_319 = tpu.vector_load %arg7[%swap3A_317, %swap3A_318] {strides = array<i32>} : memref<19x512xf32, #tpu.memory_space<vmem>>, vector<16xf32>,
      tpu.vector_store %arg7[%swap3A_317, %swap3A_318], %add3A_248 {strides = array<i32>} : memref<19x512xf32, #tpu.memory_space<vmem>>, vector<16xf32>,
      %swap3A_320 = arith.constant 9 : i32
      %swap3A_321 = arith.index_cast %swap3A_320 : i32 to index
      %swap3A_322 = arith.index_cast %mul3A_24 : i32 to index
      %swap3A_323 = tpu.vector_load %arg7[%swap3A_321, %swap3A_322] {strides = array<i32>} : memref<19x512xf32, #tpu.memory_space<vmem>>, vector<16xf32>,
      tpu.vector_store %arg7[%swap3A_321, %swap3A_322], %add3A_267 {strides = array<i32>} : memref<19x512xf32, #tpu.memory_space<vmem>>, vector<16xf32>,
      %swap3A_324 = arith.constant 10 : i32
      %swap3A_325 = arith.index_cast %swap3A_324 : i32 to index
      %swap3A_326 = arith.index_cast %mul3A_24 : i32 to index
      %swap3A_327 = tpu.vector_load %arg7[%swap3A_325, %swap3A_326] {strides = array<i32>} : memref<19x512xf32, #tpu.memory_space<vmem>>, vector<16xf32>,
      tpu.vector_store %arg7[%swap3A_325, %swap3A_326], %add3A_269 {strides = array<i32>} : memref<19x512xf32, #tpu.memory_space<vmem>>, vector<16xf32>,
      %swap3A_328 = arith.constant 11 : i32
      %swap3A_329 = arith.index_cast %swap3A_328 : i32 to index
      %swap3A_330 = arith.index_cast %mul3A_24 : i32 to index
      %swap3A_331 = tpu.vector_load %arg7[%swap3A_329, %swap3A_330] {strides = array<i32>} : memref<19x512xf32, #tpu.memory_space<vmem>>, vector<16xf32>,
      tpu.vector_store %arg7[%swap3A_329, %swap3A_330], %add3A_271 {strides = array<i32>} : memref<19x512xf32, #tpu.memory_space<vmem>>, vector<16xf32>,
      %swap3A_332 = arith.constant 12 : i32
      %swap3A_333 = arith.index_cast %swap3A_332 : i32 to index
      %swap3A_334 = arith.index_cast %mul3A_24 : i32 to index
      %swap3A_335 = tpu.vector_load %arg7[%swap3A_333, %swap3A_334] {strides = array<i32>} : memref<19x512xf32, #tpu.memory_space<vmem>>, vector<16xf32>,
      tpu.vector_store %arg7[%swap3A_333, %swap3A_334], %add3A_273 {strides = array<i32>} : memref<19x512xf32, #tpu.memory_space<vmem>>, vector<16xf32>,
      %swap3A_336 = arith.constant 13 : i32
      %swap3A_337 = arith.index_cast %swap3A_336 : i32 to index
      %swap3A_338 = arith.index_cast %mul3A_24 : i32 to index
      %swap3A_339 = tpu.vector_load %arg7[%swap3A_337, %swap3A_338] {strides = array<i32>} : memref<19x512xf32, #tpu.memory_space<vmem>>, vector<16xf32>,
      tpu.vector_store %arg7[%swap3A_337, %swap3A_338], %add3A_275 {strides = array<i32>} : memref<19x512xf32, #tpu.memory_space<vmem>>, vector<16xf32>,
      %swap3A_340 = arith.constant 14 : i32
      %swap3A_341 = arith.index_cast %swap3A_340 : i32 to index
      %swap3A_342 = arith.index_cast %mul3A_24 : i32 to index
      %swap3A_343 = tpu.vector_load %arg7[%swap3A_341, %swap3A_342] {strides = array<i32>} : memref<19x512xf32, #tpu.memory_space<vmem>>, vector<16xf32>,
      tpu.vector_store %arg7[%swap3A_341, %swap3A_342], %add3A_277 {strides = array<i32>} : memref<19x512xf32, #tpu.memory_space<vmem>>, vector<16xf32>,
      %swap3A_344 = arith.constant 15 : i32
      %swap3A_345 = arith.index_cast %swap3A_344 : i32 to index
      %swap3A_346 = arith.index_cast %mul3A_24 : i32 to index
      %swap3A_347 = tpu.vector_load %arg7[%swap3A_345, %swap3A_346] {strides = array<i32>} : memref<19x512xf32, #tpu.memory_space<vmem>>, vector<16xf32>,
      tpu.vector_store %arg7[%swap3A_345, %swap3A_346], %add3A_279 {strides = array<i32>} : memref<19x512xf32, #tpu.memory_space<vmem>>, vector<16xf32>,
      %swap3A_348 = arith.constant 16 : i32
      %swap3A_349 = arith.index_cast %swap3A_348 : i32 to index
      %swap3A_350 = arith.index_cast %mul3A_24 : i32 to index
      %swap3A_351 = tpu.vector_load %arg7[%swap3A_349, %swap3A_350] {strides = array<i32>} : memref<19x512xf32, #tpu.memory_space<vmem>>, vector<16xf32>,
      tpu.vector_store %arg7[%swap3A_349, %swap3A_350], %add3A_281 {strides = array<i32>} : memref<19x512xf32, #tpu.memory_space<vmem>>, vector<16xf32>,
      %swap3A_352 = arith.constant 17 : i32
      %swap3A_353 = arith.index_cast %swap3A_352 : i32 to index
      %swap3A_354 = arith.index_cast %mul3A_24 : i32 to index
      %swap3A_355 = tpu.vector_load %arg7[%swap3A_353, %swap3A_354] {strides = array<i32>} : memref<19x512xf32, #tpu.memory_space<vmem>>, vector<16xf32>,
      tpu.vector_store %arg7[%swap3A_353, %swap3A_354], %add3A_283 {strides = array<i32>} : memref<19x512xf32, #tpu.memory_space<vmem>>, vector<16xf32>,
      %swap3A_356 = arith.constant 18 : i32
      %swap3A_357 = arith.index_cast %swap3A_356 : i32 to index
      %swap3A_358 = arith.index_cast %mul3A_24 : i32 to index
      %swap3A_359 = tpu.vector_load %arg7[%swap3A_357, %swap3A_358] {strides = array<i32>} : memref<19x512xf32, #tpu.memory_space<vmem>>, vector<16xf32>,
      tpu.vector_store %arg7[%swap3A_357, %swap3A_358], %mul3A_284 {strides = array<i32>} : memref<19x512xf32, #tpu.memory_space<vmem>>, vector<16xf32>,
    }
    %scan3A_21 = arith.constant 32 : i32
    "tpu.region"() ({
      %run_scoped3A = tpu.sem_alloc : memref<!tpu.dma_semaphore, #tpu.memory_space<semaphore_mem>>
      %dma_start3A_22 = arith.constant 0 : i32
      %dma_start3A_23 = tpu.memref_slice %arg4[%dma_start3A_22, %mul3A_2] : memref<19x16384xf32, #tpu.memory_space<hbm>> -> memref<19x512xf32, #tpu.memory_space<hbm>>
      %dma_start3A_24 = arith.constant 0 : i32
      %dma_start3A_25 = tpu.memref_slice %arg4[%dma_start3A_24, %mul3A_2] : memref<19x16384xf32, #tpu.memory_space<hbm>> -> memref<19x512xf32, #tpu.memory_space<hbm>>
      tpu.enqueue_dma source(%arg7 : memref<19x512xf32, #tpu.memory_space<vmem>>) target(%dma_start3A_25 : memref<19x512xf32, #tpu.memory_space<hbm>>) target_semaphore(%run_scoped3A : memref<!tpu.dma_semaphore, #tpu.memory_space<semaphore_mem>>)
      %dma_wait3A_26 = arith.constant 0 : i32
      %dma_wait3A_27 = tpu.memref_slice %arg4[%dma_wait3A_26, %mul3A_2] : memref<19x16384xf32, #tpu.memory_space<hbm>> -> memref<19x512xf32, #tpu.memory_space<hbm>>
      %dma_wait3A_28 = arith.constant 0 : i32
      %dma_wait3A_29 = tpu.memref_slice %arg4[%dma_wait3A_28, %mul3A_2] : memref<19x16384xf32, #tpu.memory_space<hbm>> -> memref<19x512xf32, #tpu.memory_space<hbm>>
      tpu.wait_dma2 semaphore(%run_scoped3A : memref<!tpu.dma_semaphore, #tpu.memory_space<semaphore_mem>>) src(%arg7 : memref<19x512xf32, #tpu.memory_space<vmem>>) dst(%dma_wait3A_29 : memref<19x512xf32, #tpu.memory_space<hbm>>)
      tpu.yield
    }) : () -> ()
    return
  }
}

module attributes {stable_mosaic.version = 14 : i64} {
  func.func @_tc_body(%arg0: i32, %arg1: memref<112x16384xf32, #tpu.memory_space<vmem>>, %arg2: memref<112x16384xf32, #tpu.memory_space<vmem>>, %arg3: memref<1x10x112xf32, #tpu.memory_space<vmem>>, %arg4: memref<10x1xf32, #tpu.memory_space<vmem>>, %arg5: memref<16x16384xf32, #tpu.memory_space<vmem>>, %arg6: memref<16x16384xf32, #tpu.memory_space<vmem>>) attributes {dimension_semantics = [#tpu.dimension_semantics<arbitrary>], iteration_bounds = array<i64: 7>, scalar_prefetch = 0 : i64, scratch_operands = 0 : i64, tpu.core_type = #tpu.core_type<tc>, window_params = [{transform_indices = @transform_0, window_bounds = array<i64: 112, 16384>}, {transform_indices = @transform_1, window_bounds = array<i64: 112, 16384>}, {transform_indices = @transform_2, window_bounds = array<i64: 1, 10, 112>}, {pipeline_mode = #tpu.pipeline_mode<synchronous>, transform_indices = @transform_3, window_bounds = array<i64: 10, 1>}, {pipeline_mode = #tpu.pipeline_mode<synchronous>, transform_indices = @transform_4, window_bounds = array<i64: 16, 16384>}, {pipeline_mode = #tpu.pipeline_mode<synchronous>, transform_indices = @transform_5, window_bounds = array<i64: 16, 16384>}]} {
    %get3A = arith.constant 0 : index
    %get3A_0 = arith.constant 0 : index
    %get3A_1 = arith.constant 0 : index
    %get3A_2 = vector.load %arg3[%get3A, %get3A_0, %get3A_1] : memref<1x10x112xf32, #tpu.memory_space<vmem>>, vector<1x10x112xf32>
    %get3A_3 = vector.shape_cast %get3A_2 : vector<1x10x112xf32> to vector<10x112xf32>
    %get3A_4 = arith.constant 0 : index
    %get3A_5 = arith.constant 0 : index
    %get3A_6 = vector.load %arg1[%get3A_4, %get3A_5] : memref<112x16384xf32, #tpu.memory_space<vmem>>, vector<112x16384xf32>
    %dot_general3A = arith.constant dense<0.000000e+00> : vector<10x16384xf32>
    %dot_general3A_7 = tpu.matmul %get3A_3, %get3A_6, %dot_general3A {dimension_numbers = #tpu.dot_dimension_numbers<[1], [0], [0], [1], [0, 0, 1, 1], [], []>, transpose_lhs_hint = false} : vector<10x112xf32>, vector<112x16384xf32>, vector<10x16384xf32> -> vector<10x16384xf32>
    %get3A_8 = arith.constant 0 : index
    %get3A_9 = arith.constant 0 : index
    %get3A_10 = vector.load %arg2[%get3A_8, %get3A_9] : memref<112x16384xf32, #tpu.memory_space<vmem>>, vector<112x16384xf32>
    %dot_general3A_11 = arith.constant dense<0.000000e+00> : vector<10x16384xf32>
    %dot_general3A_12 = tpu.matmul %get3A_3, %get3A_10, %dot_general3A_11 {dimension_numbers = #tpu.dot_dimension_numbers<[1], [0], [0], [1], [0, 0, 1, 1], [], []>, transpose_lhs_hint = false} : vector<10x112xf32>, vector<112x16384xf32>, vector<10x16384xf32> -> vector<10x16384xf32>
    %eq3A = arith.constant 0 : i32
    %eq3A_13 = arith.cmpi eq, %arg0, %eq3A : i32
    %convert_element_type3A = arith.extui %eq3A_13 : i1 to i32
    %cond3A = arith.constant 0 : i32
    %cond3A_14 = arith.cmpi ne, %convert_element_type3A, %cond3A : i32
    scf.if %cond3A_14 {
      %get3A_24 = arith.constant 0 : index
      %get3A_25 = arith.constant 0 : index
      %get3A_26 = vector.load %arg4[%get3A_24, %get3A_25] : memref<10x1xf32, #tpu.memory_space<vmem>>, vector<10x1xf32>
      %add3A = vector.broadcast %get3A_26 : vector<10x1xf32> to vector<10x16384xf32>
      %add3A_27 = arith.addf %dot_general3A_7, %add3A : vector<10x16384xf32>
      %swap3A = arith.constant 0 : index
      %swap3A_28 = arith.constant 0 : index
      %swap3A_29 = vector.load %arg5[%swap3A, %swap3A_28] : memref<16x16384xf32, #tpu.memory_space<vmem>>, vector<10x16384xf32>
      tpu.vector_store %arg5[%swap3A, %swap3A_28], %add3A_27 {strides = array<i32>} : memref<16x16384xf32, #tpu.memory_space<vmem>>, vector<10x16384xf32>,
      %add3A_30 = vector.broadcast %get3A_26 : vector<10x1xf32> to vector<10x16384xf32>
      %add3A_31 = arith.addf %dot_general3A_12, %add3A_30 : vector<10x16384xf32>
      %swap3A_32 = arith.constant 0 : index
      %swap3A_33 = arith.constant 0 : index
      %swap3A_34 = vector.load %arg6[%swap3A_32, %swap3A_33] : memref<16x16384xf32, #tpu.memory_space<vmem>>, vector<10x16384xf32>
      tpu.vector_store %arg6[%swap3A_32, %swap3A_33], %add3A_31 {strides = array<i32>} : memref<16x16384xf32, #tpu.memory_space<vmem>>, vector<10x16384xf32>,
    } else {
    }
    %gt3A = arith.constant 0 : i32
    %gt3A_15 = arith.cmpi sgt, %arg0, %gt3A : i32
    %convert_element_type3A_16 = arith.extui %gt3A_15 : i1 to i32
    %cond3A_17 = arith.constant 0 : i32
    %cond3A_18 = arith.cmpi ne, %convert_element_type3A_16, %cond3A_17 : i32
    scf.if %cond3A_18 {
      %get3A_24 = arith.constant 0 : index
      %get3A_25 = arith.constant 0 : index
      %get3A_26 = vector.load %arg5[%get3A_24, %get3A_25] : memref<16x16384xf32, #tpu.memory_space<vmem>>, vector<10x16384xf32>
      %add3A = arith.addf %get3A_26, %dot_general3A_7 : vector<10x16384xf32>
      %swap3A = arith.constant 0 : index
      %swap3A_27 = arith.constant 0 : index
      %swap3A_28 = vector.load %arg5[%swap3A, %swap3A_27] : memref<16x16384xf32, #tpu.memory_space<vmem>>, vector<10x16384xf32>
      tpu.vector_store %arg5[%swap3A, %swap3A_27], %add3A {strides = array<i32>} : memref<16x16384xf32, #tpu.memory_space<vmem>>, vector<10x16384xf32>,
      %get3A_29 = arith.constant 0 : index
      %get3A_30 = arith.constant 0 : index
      %get3A_31 = vector.load %arg6[%get3A_29, %get3A_30] : memref<16x16384xf32, #tpu.memory_space<vmem>>, vector<10x16384xf32>
      %add3A_32 = arith.addf %get3A_31, %dot_general3A_12 : vector<10x16384xf32>
      %swap3A_33 = arith.constant 0 : index
      %swap3A_34 = arith.constant 0 : index
      %swap3A_35 = vector.load %arg6[%swap3A_33, %swap3A_34] : memref<16x16384xf32, #tpu.memory_space<vmem>>, vector<10x16384xf32>
      tpu.vector_store %arg6[%swap3A_33, %swap3A_34], %add3A_32 {strides = array<i32>} : memref<16x16384xf32, #tpu.memory_space<vmem>>, vector<10x16384xf32>,
    } else {
    }
    %eq3A_19 = arith.constant 6 : i32
    %eq3A_20 = arith.cmpi eq, %arg0, %eq3A_19 : i32
    %convert_element_type3A_21 = arith.extui %eq3A_20 : i1 to i32
    %cond3A_22 = arith.constant 0 : i32
    %cond3A_23 = arith.cmpi ne, %convert_element_type3A_21, %cond3A_22 : i32
    scf.if %cond3A_23 {
      %iota3A = tpu.iota {dimensions = array<i32: 0>} : vector<10x16384xi32>
      %broadcast_in_dim3A = arith.constant 0.000000e+00 : f32
      %broadcast_in_dim3A_24 = vector.broadcast %broadcast_in_dim3A : f32 to vector<5x16384xf32>
      %get3A_25 = arith.constant 0 : index
      %get3A_26 = arith.constant 0 : index
      %get3A_27 = vector.load %arg5[%get3A_25, %get3A_26] : memref<16x16384xf32, #tpu.memory_space<vmem>>, vector<10x16384xf32>
      %reduce_max3A = arith.constant dense<0xFF800000> : vector<16384xf32>
      %reduce_max3A_28 = vector.multi_reduction <maximumf>, %get3A_27, %reduce_max3A [0] : vector<10x16384xf32> to vector<16384xf32>
      %broadcast_in_dim3A_29 = vector.shape_cast %reduce_max3A_28 : vector<16384xf32> to vector<1x16384xf32>
      %sub3A = vector.broadcast %broadcast_in_dim3A_29 : vector<1x16384xf32> to vector<10x16384xf32>
      %sub3A_30 = arith.subf %get3A_27, %sub3A : vector<10x16384xf32>
      %exp3A = math.exp %sub3A_30 : vector<10x16384xf32>
      %reduce_sum3A = arith.constant dense<0.000000e+00> : vector<16384xf32>
      %reduce_sum3A_31 = vector.multi_reduction <add>, %exp3A, %reduce_sum3A [0] : vector<10x16384xf32> to vector<16384xf32>
      %broadcast_in_dim3A_32 = vector.shape_cast %reduce_sum3A_31 : vector<16384xf32> to vector<1x16384xf32>
      %div3A = vector.broadcast %broadcast_in_dim3A_32 : vector<1x16384xf32> to vector<10x16384xf32>
      %div3A_33 = arith.divf %exp3A, %div3A : vector<10x16384xf32>
      %eq3A_34 = vector.broadcast %broadcast_in_dim3A_29 : vector<1x16384xf32> to vector<10x16384xf32>
      %eq3A_35 = arith.cmpf oeq, %get3A_27, %eq3A_34 : vector<10x16384xf32>
      %jit3A = arith.constant 10 : i32
      %broadcast_in_dim3A_36 = vector.broadcast %jit3A : i32 to vector<10x16384xi32>
      %select_n3A = arith.select %eq3A_35, %iota3A, %broadcast_in_dim3A_36 : vector<10x16384xi1>, vector<10x16384xi32>
      %reduce_min3A = arith.constant dense<2147483647> : vector<16384xi32>
      %reduce_min3A_37 = vector.multi_reduction <minsi>, %select_n3A, %reduce_min3A [0] : vector<10x16384xi32> to vector<16384xi32>
      %broadcast_in_dim3A_38 = vector.shape_cast %reduce_min3A_37 : vector<16384xi32> to vector<1x16384xi32>
      %convert_element_type3A_39 = arith.sitofp %broadcast_in_dim3A_38 : vector<1x16384xi32> to vector<1x16384xf32>
      %concatenate3A = tpu.concatenate %div3A_33, %convert_element_type3A_39, %broadcast_in_dim3A_24 in 0 : vector<10x16384xf32>, vector<1x16384xf32>, vector<5x16384xf32> -> vector<16x16384xf32>
      %swap3A = arith.constant 0 : index
      %swap3A_40 = arith.constant 0 : index
      %swap3A_41 = vector.load %arg5[%swap3A, %swap3A_40] : memref<16x16384xf32, #tpu.memory_space<vmem>>, vector<16x16384xf32>
      tpu.vector_store %arg5[%swap3A, %swap3A_40], %concatenate3A {strides = array<i32>} : memref<16x16384xf32, #tpu.memory_space<vmem>>, vector<16x16384xf32>,
      %get3A_42 = arith.constant 0 : index
      %get3A_43 = arith.constant 0 : index
      %get3A_44 = vector.load %arg6[%get3A_42, %get3A_43] : memref<16x16384xf32, #tpu.memory_space<vmem>>, vector<10x16384xf32>
      %reduce_max3A_45 = arith.constant dense<0xFF800000> : vector<16384xf32>
      %reduce_max3A_46 = vector.multi_reduction <maximumf>, %get3A_44, %reduce_max3A_45 [0] : vector<10x16384xf32> to vector<16384xf32>
      %broadcast_in_dim3A_47 = vector.shape_cast %reduce_max3A_46 : vector<16384xf32> to vector<1x16384xf32>
      %sub3A_48 = vector.broadcast %broadcast_in_dim3A_47 : vector<1x16384xf32> to vector<10x16384xf32>
      %sub3A_49 = arith.subf %get3A_44, %sub3A_48 : vector<10x16384xf32>
      %exp3A_50 = math.exp %sub3A_49 : vector<10x16384xf32>
      %reduce_sum3A_51 = arith.constant dense<0.000000e+00> : vector<16384xf32>
      %reduce_sum3A_52 = vector.multi_reduction <add>, %exp3A_50, %reduce_sum3A_51 [0] : vector<10x16384xf32> to vector<16384xf32>
      %broadcast_in_dim3A_53 = vector.shape_cast %reduce_sum3A_52 : vector<16384xf32> to vector<1x16384xf32>
      %div3A_54 = vector.broadcast %broadcast_in_dim3A_53 : vector<1x16384xf32> to vector<10x16384xf32>
      %div3A_55 = arith.divf %exp3A_50, %div3A_54 : vector<10x16384xf32>
      %eq3A_56 = vector.broadcast %broadcast_in_dim3A_47 : vector<1x16384xf32> to vector<10x16384xf32>
      %eq3A_57 = arith.cmpf oeq, %get3A_44, %eq3A_56 : vector<10x16384xf32>
      %jit3A_58 = arith.constant 10 : i32
      %broadcast_in_dim3A_59 = vector.broadcast %jit3A_58 : i32 to vector<10x16384xi32>
      %select_n3A_60 = arith.select %eq3A_57, %iota3A, %broadcast_in_dim3A_59 : vector<10x16384xi1>, vector<10x16384xi32>
      %reduce_min3A_61 = arith.constant dense<2147483647> : vector<16384xi32>
      %reduce_min3A_62 = vector.multi_reduction <minsi>, %select_n3A_60, %reduce_min3A_61 [0] : vector<10x16384xi32> to vector<16384xi32>
      %broadcast_in_dim3A_63 = vector.shape_cast %reduce_min3A_62 : vector<16384xi32> to vector<1x16384xi32>
      %convert_element_type3A_64 = arith.sitofp %broadcast_in_dim3A_63 : vector<1x16384xi32> to vector<1x16384xf32>
      %concatenate3A_65 = tpu.concatenate %div3A_55, %convert_element_type3A_64, %broadcast_in_dim3A_24 in 0 : vector<10x16384xf32>, vector<1x16384xf32>, vector<5x16384xf32> -> vector<16x16384xf32>
      %swap3A_66 = arith.constant 0 : index
      %swap3A_67 = arith.constant 0 : index
      %swap3A_68 = vector.load %arg6[%swap3A_66, %swap3A_67] : memref<16x16384xf32, #tpu.memory_space<vmem>>, vector<16x16384xf32>
      tpu.vector_store %arg6[%swap3A_66, %swap3A_67], %concatenate3A_65 {strides = array<i32>} : memref<16x16384xf32, #tpu.memory_space<vmem>>, vector<16x16384xf32>,
    } else {
    }
    return
  }
  func.func @transform_0(%arg0: i32) -> (i32, i32) {
    %c0_i32 = arith.constant 0 : i32
    %c0_i32_0 = arith.constant 0 : i32
    return %arg0, %c0_i32 : i32, i32
  }
  func.func @transform_1(%arg0: i32) -> (i32, i32) {
    %c0_i32 = arith.constant 0 : i32
    %c0_i32_0 = arith.constant 0 : i32
    return %arg0, %c0_i32 : i32, i32
  }
  func.func @transform_2(%arg0: i32) -> (i32, i32, i32) {
    %c0_i32 = arith.constant 0 : i32
    %c0_i32_0 = arith.constant 0 : i32
    %c0_i32_1 = arith.constant 0 : i32
    return %arg0, %c0_i32, %c0_i32_0 : i32, i32, i32
  }
  func.func @transform_3(%arg0: i32) -> (i32, i32) {
    %c0_i32 = arith.constant 0 : i32
    %c0_i32_0 = arith.constant 0 : i32
    %c0_i32_1 = arith.constant 0 : i32
    return %c0_i32, %c0_i32_0 : i32, i32
  }
  func.func @transform_4(%arg0: i32) -> (i32, i32) {
    %c0_i32 = arith.constant 0 : i32
    %c0_i32_0 = arith.constant 0 : i32
    %c0_i32_1 = arith.constant 0 : i32
    return %c0_i32, %c0_i32_0 : i32, i32
  }
  func.func @transform_5(%arg0: i32) -> (i32, i32) {
    %c0_i32 = arith.constant 0 : i32
    %c0_i32_0 = arith.constant 0 : i32
    %c0_i32_1 = arith.constant 0 : i32
    return %c0_i32, %c0_i32_0 : i32, i32
  }
}

</mosaic_0001>

<sc_bundles>
// kernel: _run.4.cloned.1.call-start
scs
__scs_entry_jumppad:
0x0: {  	(pc) =	sbr.rel $0x88, $3  }
0x1: {  	(tag) =	ssettag $0x0;
	lr =	simm.s32 $0x1  }
0x2: {  	[smem:$0x3F9D] =	sst lr;
	_ =	strace $0xD0000000  }
0x3: {  	_ = 	snop  }
0x4: {  	_ = 	snop  }
0x5: {  	_ = 	snop  }
0x6: {  	_ = 	snop  }
0x7: {  	_ = 	snop  }
__scs_overlays_trampoline_lowered:
0x8: {  	[smem:$0x3FAC] =	sst s0  }
0x9: {  	[smem:$0x3FAD] =	sst s1  }
0xa: {  	[smem:$0x3FAE] =	sst s2  }
0xb: {  	[smem:$0x3FAF] =	sst s3  }
0xc: {  	[smem:$0x3FB0] =	sst s4  }
0xd: {  	[smem:$0x3FB1] =	sst s5  }
0xe: {  	[smem:$0x3FB2] =	sst s6  }
0xf: {  	[smem:$0x3FB3] =	sst s7  }
0x10: {  	[smem:$0x3FB4] =	sst s8  }
0x11: {  	[smem:$0x3FB5] =	sst s9;
	s0 =	simm.s32 @!p0 $0x0  }
0x12: {  	s1 =	sld [smem:$0x3F9B];
	s0 =	simm.s32 @p0 $0x1  }
0x13: {  	[smem:$0x3FB6] =	sst s0;
	s0 =	simm.s32 @!p1 $0x0  }
0x14: {  	s2 =	sld [smem:$0x3F9A];
	s0 =	simm.s32 @p1 $0x1  }
0x15: {  	[smem:$0x3FB7] =	sst s0;
	s0 =	simm.s32 @!p2 $0x0  }
0x16: {  	s3 =	sld [smem:$0x3FDB];
	s0 =	simm.s32 @p2 $0x1  }
0x17: {  	s4 =	simm.s32 $0x1BF5;
	[smem:$0x3FB9] =	sst s0  }
0x18: {  	s0 =	sld [smem:$0x3F9C];
	_ =	swait.ge [sflag:s4], $0x0  }
0x19: {  	s7 =	sld [smem:$0x3F9D]  }
0x1a: {  	s8 =	sadd.s32 $0xFFFFE003, lr  }
0x1b: {  	s9 =	sadd.s32 $0xFFFFFEF7, lr;
	s5 =	simm.s32 $0xFFFFFFFF;
	p2 =	slt.u32 s8, $0xFFFFF086  }
0x1c: {  	p1 =	slt.u32 s9, $0xF7A;
	s5 =	simm.s32 @!p2 $0x0  }
0x1d: {  	s5 =	simm.s32 @p1 $0x1;
	p0 =	seq.s32 s7, s2  }
0x1e: {  	s7 =	smul.u32 @!p0 $0xF7A, s2;
	p2 =	seq.s32 @!p0 s5, $0x0  }
0x1f: {  	s9 =	smul.u32 $0xF7A, s1;
	s8 =	simm.s32 @!p0 $0x1BF5;
	p2 =	por !p2, p0  }
0x20: {  	[sflag:s8] =	ssyncset.s32 @!p0 $0xFFFFF086;
	s6 =	sadd.s32 @!p0 s3, s7;
	s7 =	simm.s32 @!p0 $0x108  }
0x21: {  	s3 =	sadd.s32 s3, s9;
	s6 =	sadd.s32 @!p0 $0x88, s6;
	s7 =	simm.s32 @p2 $0x1082  }
0x22: {  	[simem:s7], [sflag:s8] =	dma.local @!p0 [hbm:s6], $0xF7A  }
0x23: {  	s9 =	sor.u32 $0xD0000000, s2;
	s6 =	simm.s32 $0x108;
	_ =	swait.ge @!p0 [sflag:s8], $0x0  }
0x24: {  	s3 =	sadd.s32 $0x88, s3;
	s6 =	simm.s32 @!p1 $0x1082;
	[sflag:s4] =	ssyncset.s32 $0xFFFFF086  }
0x25: {  	[simem:s6], [sflag:s4] =	dma.local [hbm:s3], $0xF7A  }
0x26: {  	[smem:$0x3F9D] =	sst s1;
	(tag) =	ssettag s2;
	_ =	strace s9  }
0x27: {  	s1 =	sld [smem:$0x3FAD]  }
0x28: {  	s2 =	sld [smem:$0x3FAE]  }
0x29: {  	s4 =	sld [smem:$0x3FB0]  }
0x2a: {  	p0 =	seq.s32 s5, $0x0;
	s5 =	sld [smem:$0x3FB1]  }
0x2b: {  	s6 =	sld [smem:$0x3FB2]  }
0x2c: {  	s7 =	sld [smem:$0x3FB3]  }
0x2d: {  	s3 =	simm.s32 $0x108;
	s8 =	sld [smem:$0x3FB4]  }
0x2e: {  	s3 =	simm.s32 @!p0 $0x1082;
	s9 =	sld [smem:$0x3FB5]  }
0x2f: {  	lr =	sadd.s32 s0, s3;
	s0 =	sld [smem:$0x3FAC]  }
0x30: {  	s3 =	sld [smem:$0x3FAF]  }
0x31: {  	[smem:$0x3FB8] =	sst s10  }
0x32: {  	s10 =	sld [smem:$0x3FB6];
	_ =	sdelay $0x3  }
0x33: {  	p0 =	seq.s32 s10, $0x1;
	s10 =	sld [smem:$0x3FB8];
	_ =	sdelay $0x3  }
0x34: {  	[smem:$0x3FB8] =	sst s10  }
0x35: {  	s10 =	sld [smem:$0x3FB7];
	_ =	sdelay $0x3  }
0x36: {  	p1 =	seq.s32 s10, $0x1;
	s10 =	sld [smem:$0x3FB8];
	_ =	sdelay $0x3  }
0x37: {  	[smem:$0x3FB8] =	sst s10  }
0x38: {  	s10 =	sld [smem:$0x3FB9]  }
0x39: {  	_ = 	snop;
	(pc) =	sbr.ind lr, $3  }
0x3a: {  	_ = 	snop  }
0x3b: {  	_ = 	snop  }
0x3c: {  	p2 =	seq.s32 s10, $0x1;
	s10 =	sld [smem:$0x3FB8]  }
0x3d: {  	_ =	shalt  }
0x3e: {  	_ =	shalt  }
0x3f: {  	_ =	shalt  }
0x40: {  	_ =	shalt  }
0x41: {  	_ =	shalt  }
0x42: {  	_ =	shalt  }
0x43: {  	_ =	shalt  }
0x44: {  	_ =	shalt  }
0x45: {  	_ =	shalt  }
0x46: {  	_ =	shalt  }
0x47: {  	_ =	shalt  }
0x48: {  	_ =	shalt  }
0x49: {  	_ =	shalt  }
0x4a: {  	_ =	shalt  }
0x4b: {  	_ =	shalt  }
0x4c: {  	_ =	shalt  }
0x4d: {  	_ =	shalt  }
0x4e: {  	_ =	shalt  }
0x4f: {  	_ =	shalt  }
0x50: {  	_ =	shalt  }
0x51: {  	_ =	shalt  }
0x52: {  	_ =	shalt  }
0x53: {  	_ =	shalt  }
0x54: {  	_ =	shalt  }
0x55: {  	_ =	shalt  }
0x56: {  	_ =	shalt  }
0x57: {  	_ =	shalt  }
0x58: {  	_ =	shalt  }
0x59: {  	_ =	shalt  }
0x5a: {  	_ =	shalt  }
0x5b: {  	_ =	shalt  }
0x5c: {  	_ =	shalt  }
0x5d: {  	_ =	shalt  }
0x5e: {  	_ =	shalt  }
0x5f: {  	_ =	shalt  }
0x60: {  	_ =	shalt  }
0x61: {  	_ =	shalt  }
0x62: {  	_ =	shalt  }
0x63: {  	_ =	shalt  }
0x64: {  	_ =	shalt  }
0x65: {  	_ =	shalt  }
0x66: {  	_ =	shalt  }
0x67: {  	_ =	shalt  }
0x68: {  	_ =	shalt  }
0x69: {  	_ =	shalt  }
0x6a: {  	_ =	shalt  }
0x6b: {  	_ =	shalt  }
0x6c: {  	_ =	shalt  }
0x6d: {  	_ =	shalt  }
0x6e: {  	_ =	shalt  }
0x6f: {  	_ =	shalt  }
0x70: {  	_ =	shalt  }
0x71: {  	_ =	shalt  }
0x72: {  	_ =	shalt  }
0x73: {  	_ =	shalt  }
0x74: {  	_ =	shalt  }
0x75: {  	_ =	shalt  }
0x76: {  	_ =	shalt  }
0x77: {  	_ =	shalt  }
0x78: {  	_ =	shalt  }
0x79: {  	_ =	shalt  }
0x7a: {  	_ =	shalt  }
0x7b: {  	_ =	shalt  }
0x7c: {  	_ =	shalt  }
0x7d: {  	_ =	shalt  }
0x7e: {  	_ =	shalt  }
0x7f: {  	_ =	shalt  }
0x80: {  	_ =	shalt  }
0x81: {  	_ =	shalt  }
0x82: {  	_ =	shalt  }
0x83: {  	_ =	shalt  }
0x84: {  	_ =	shalt  }
0x85: {  	_ =	shalt  }
0x86: {  	_ =	shalt  }
0x87: {  	_ =	shalt  }
.Lfunc_end0:
.L_simem_size_0:
called_computation_lowered:
.L_overlay_start_0:
0x88: {  	s2 =	sld [smem:$0x3FD9]  }
0x89: {  	s3 =	sld [smem:$0x3FFE];
	_ =	sdelay $0x1  }
0x8a: {  	s1 =	srdreg.scid  }
0x8b: {  	s0 =	sand.u32 $0x1, s1  }
0x8c: {  	s14 =	sshll.u32 s0, $0xA;
	s2 =	sadd.s32 s3, s2  }
0x8d: {  	s2 =	sadd.s32 s2, s14  }
0x8e: {  	[smem:$0x3FC4] =	sst s2  }
0x8f: {  	_ = 	snop  }
0x90: {  	s2 =	sld [smem:$0x3FD0];
	_ =	sdelay $0x2  }
0x91: {  	s15 =	simm.s32 $0xA;
	s4 =	simm.s32 $0x10  }
0x92: {  	[smem:s4], [sflag:s15] =	dma.local [hbm:s2], $0x1  }
0x93: {  	_ =	swait.eq [sflag:s15], $0x1  }
0x94: {  	[sflag:s15] =	ssyncset.done $0x0  }
0x95: {  	[sflag:s15] =	ssyncadd.s32 $0xFFFFFFFF  }
0x96: {  	s16 =	sld [smem:$0x10];
	(tm) =	ssettm $0x1  }
0x97: {  	s17 =	sld [smem:$0x3FFB];
	_ =	sdelay $0x3  }
0x98: {  	_ =	strace s17  }
0x99: {  	s3 =	sld [smem:$0x3FFC];
	_ =	sdelay $0x3  }
0x9a: {  	_ =	strace s3  }
0x9b: {  	s3 =	sld [smem:$0x3FFD];
	_ =	sdelay $0x3  }
0x9c: {  	_ =	strace s3  }
0x9d: {  	_ =	strace $0x8FFFFFFF  }
0x9e: {  	s18 =	sld [smem:$0x3FDB];
	_ =	sdelay $0x1  }
0x9f: {  	s19 =	simm.s32 $_scs_section_size  }
0xa0: {  	s5 =	simm.s32 $_size__tile_overlayer_lowered;
	s6 =	simm.s32 $_tile_overlayer_lowered  }
0xa1: {  	s22 =	simm.s32 $0x1BFF;
	s21 =	sshll.u32 s6, $0x1;
	s3 =	sadd.s32 s19, s18  }
0xa2: {  	s7 =	simm.s32 $0x0;
	s20 =	sshll.u32 s5, $0x1;
	s5 =	sadd.s32 s21, s3  }
0xa3: {  	[timem:s7], [sflag:s22] =	dma.local [hbm:s5], s20  }
0xa4: {  	_ =	swait.ge [sflag:s22], s20  }
0xa5: {  	s4 =	ssub.s32 $0x0, s20;
	[sflag:s22] =	ssyncset.done $0x0  }
0xa6: {  	[sflag:s22] =	ssyncadd.s32 s4;
	_ =	sdelay $0x1  }
0xa7: {  	s23 =	simm.s32 $0x1B8B  }
0xa8: {  	_ =	swait.ge [sflag:s23], $0x1  }
0xa9: {  	[sflag:s23] =	ssyncset.done $0x0  }
0xaa: {  	s25 =	simm.s32 $0x1B8E;
	s24 =	sld [smem:$0x3FFE];
	[sflag:s23] =	ssyncadd.s32 $0xFFFFFFFF  }
0xab: {  	s26 =	simm.s32 $execute0_lowered;
	[smem:$0x3FD2] =	sst s25  }
0xac: {  	s5 =	sshll.u32 s26, $0x1;
	_ =	strace $0x80000046;
	[dreg:$0x1] =	wrdreg $0xFFFFFFFF  }
0xad: {  	s28 =	simm.s32 $_size_execute0_lowered;
	s3 =	sadd.s32 s3, s5;
	[dreg:$0x0] =	wrdreg $0x0  }
0xae: {  	s5 =	sshll.u32 s28, $0x1;
	[dreg:$0x2] =	wrdreg s3  }
0xaf: {  	[dreg:$0x3] =	wrdreg s5  }
0xb0: {  	[dreg:$0x4] =	wrdreg $0xC0  }
0xb1: {  	_ =	task [dreg:s7], $0x5FFFF  }
0xb2: {  	[dreg:$0x1] =	wrdreg $0xFFFFFFFF  }
0xb3: {  	[dreg:$0x0] =	wrdreg $0x60  }
0xb4: {  	[dreg:$0x2] =	wrdreg s24  }
0xb5: {  	[dreg:$0x3] =	wrdreg s16  }
0xb6: {  	[dreg:$0x4] =	wrdreg $0x9  }
0xb7: {  	_ =	task.clear_ibuf [dreg:s7], $0x5FFFF;
	_ =	strace $0x90000046  }
0xb8: {  	s29 =	simm.s32 $0x9;
	_ =	strace $0x80000048  }
0xb9: {  	_ =	swait.ge [sflag:s29], $0x1  }
0xba: {  	[sflag:s29] =	ssyncadd.s32 $0xFFFFFFFF  }
0xbb: {  	_ =	strace $0x90000048  }
0xbc: {  	_ =	sfence  }
0xbd: {  	s30 =	sld [smem:$0x0];
	_ =	sdelay $0x2  }
0xbe: {  	s31 =	sshll.u32 s1, $0xD;
	s1 =	sshrl.u32 s1, $0x2  }
0xbf: {  	s3 =	sand.u32 $0x4000, s31;
	s1 =	sadd.s32 s1, s30  }
0xc0: {  	s0 =	sor.u32 s3, s0;
	s1 =	sshll.u32 s1, $0x11  }
0xc1: {  	s0 =	sor.u32 s1, s0  }
0xc2: {  	s0 =	sadd.s32 $0x8F2B, s0  }
0xc3: {  	[sflag:s0] =	ssyncadd.remote.s32 $0x1  }
0xc4: {  	_ =	sfence.sel $0xFFFF  }
0xc5: {  	[dreg:$0x0] =	wrdreg $0xFFFFFFFF;
	(pc) =	sbr.abs _section_cstart, $3  }
0xc6: {  	[dreg:$0x1] =	wrdreg $0xFFFFFFFF  }
0xc7: {  	_ =	task.clear_ibuf [dreg:s7], $0x2FFFF;
	_ =	strace $0x9FFFFFFF  }
0xc8: {  	(tm) =	ssettm $0x7FFFFFFF  }
0xc9: {  	_ =	shalt  }
tec
execute0_lowered:
.L_overlay_start_1:
0x0: {  	(tag) =	ssettag $0x1  }
0x1: {  	s3 =	rddreg [dreg:$0x0]  }
0x2: {  	s5 =	rddreg [dreg:$0x1]  }
0x3: {  	s0 =	rddreg [dreg:$0x2];
	s4 =	srdreg.scid  }
0x4: {  	s2 =	simm.s32 $0x0;
	s1 =	stileid.u32;
	s9 =	simm.s32 $0x2000  }
0x5: {  	s10 =	simm.s32 $0x1;
	s11 =	simm.s32 $0x2;
	s12 =	simm.s32 $0x4000  }
0x6: {  	s13 =	simm.s32 $0x3;
	s14 =	simm.s32 $0x0;
	s4 =	sand.u32 $0x1, s4  }
0x7: {  	s6 =	sshll.u32 s1, $0xA;
	s7 =	sshll.u32 s4, $0x9;
	s4 =	ssub.s32 $0x2, s4  }
0x8: {  	[smem:$0x7FF] =	sst s2;
	s6 =	sor.u32 s7, s6;
	s31 =	sshrl.u32 s4, $0x1  }
0x9: {  	_ =	strace $0x80000047;
	s8 =	sadd.s32 s6, s3;
	s7 =	ssub.s32 s4, s31  }
0xa: {  	s5 =	sadd.s32 s5, s6;
	s3 =	sadd.s32 $0xC00, s8;
	s4 =	sadd.s32 $0x8C00, s8  }
0xb: {  	s6 =	smax.u32 s7, $0x1;
	s7 =	simm.s32 $0x1000;
	s8 =	simm.s32 $0x20000  }
.LBB2_1:
0xc: {  	[tilespmem:s2], [sflag:$0x1] =	stream.strided.gather [hbm4b:s3+s7], $0x2000, s8, s7, $0x38;
	[tilespmem:$0x7000] =	vst v63  }
0xd: {  	_ = 	snop  }
0xe: {  	[tilespmem:s9], [sflag:$0x2] =	stream.strided.gather [hbm4b:s4+s7], $0x2000, s8, s7, $0x38;
	[tilespmem:$0x7000] =	vst v63  }
0xf: {  	_ =	swait.ge [sflag:s10], $0x2000  }
0x10: {  	[sflag:s10] =	ssyncset.done $0x0  }
0x11: {  	[sflag:s10] =	ssyncadd.s32 $0xFFFFE000  }
0x12: {  	_ =	swait.ge [sflag:s11], $0x2000  }
0x13: {  	[sflag:s11] =	ssyncset.done $0x0  }
0x14: {  	s15 =	simm.s32 $0x0;
	s16 =	simm.s32 $0x0;
	[sflag:s11] =	ssyncadd.s32 $0xFFFFE000  }
.LBB2_2:
0x15: {  	s17 =	sand.u32 $0x70, s16;
	s18 =	sand.u32 $0xC00, s15  }
0x16: {  	s17 =	sor.u32 s17, s18  }
0x17: {  	v10 =	vld [tilespmem:s17+$0x0]  }
0x18: {  	v12 =	vld [tilespmem:s17+$0x80]  }
0x19: {  	v9 =	vld [tilespmem:s17+$0x2000]  }
0x1a: {  	v8 =	vld [tilespmem:s17+$0x2080]  }
0x1b: {  	v7 =	vld [tilespmem:s17+$0x2100]  }
0x1c: {  	v5 =	vld [tilespmem:s17+$0x2200]  }
0x1d: {  	v4 =	vld [tilespmem:s17+$0x2280]  }
0x1e: {  	v3 =	vld [tilespmem:s17+$0x2300]  }
0x1f: {  	v1 =	vld [tilespmem:s17+$0x3000]  }
0x20: {  	v0 =	vld [tilespmem:s17+$0x3080]  }
0x21: {  	v11 =	vmul.f32 v8, v10  }
0x22: {  	v13 =	vmul.f32 v7, v10;
	v15 =	vmul.f32 v5, v10  }
0x23: {  	v22 =	vld [tilespmem:s17+$0x100];
	v16 =	vmul.f32 v4, v10;
	v17 =	vmul.f32 v3, v10  }
0x24: {  	v19 =	vmul.f32 v9, v12;
	v20 =	vmul.f32 v1, v10  }
0x25: {  	v21 =	vmul.f32 v8, v12;
	v23 =	vmul.f32 v0, v10  }
0x26: {  	v56 =	vmul.f32 v7, v12;
	v24 =	vmul.f32 v5, v12  }
0x27: {  	v34 =	vld [tilespmem:s17+$0x200];
	v58 =	vmul.f32 v4, v12;
	v25 =	vmul.f32 v3, v12  }
0x28: {  	v60 =	vmul.f32 v1, v12;
	v61 =	vmul.f32 v9, v22  }
0x29: {  	s18 =	sor.u32 s18, s16;
	v62 =	vmul.f32 v8, v22;
	v27 =	vmul.f32 v7, v22  }
0x2a: {  	s31 =	sor.u32 s15, s16;
	s19 =	sor.u32 $0x180, s18;
	v44 =	vld [tilespmem:s17+$0x280];
	v29 =	vmul.f32 v5, v22;
	v30 =	vmul.f32 v4, v22  }
0x2b: {  	s18 =	sor.u32 $0x380, s31;
	v6 =	vld [tilespmem:s19+$0x2000];
	v31 =	vmul.f32 v3, v22;
	v32 =	vmul.f32 v1, v22  }
0x2c: {  	v2 =	vld [tilespmem:s18+$0x2000];
	v42 =	vmul.f32 v9, v34;
	v43 =	vmul.f32 v8, v34  }
0x2d: {  	v45 =	vmul.f32 v7, v34;
	v47 =	vmul.f32 v5, v34  }
0x2e: {  	v48 =	vmul.f32 v4, v34;
	v50 =	vmul.f32 v1, v34  }
0x2f: {  	v63 =	vld [tilespmem:s19+$0x0];
	v51 =	vmul.f32 v9, v44;
	v52 =	vmul.f32 v8, v44  }
0x30: {  	v54 =	vmul.f32 v7, v44;
	v14 =	vmul.f32 v6, v10  }
0x31: {  	v18 =	vmul.f32 v2, v10;
	v57 =	vmul.f32 v6, v12  }
0x32: {  	v59 =	vmul.f32 v2, v12;
	v12 =	vmul.f32 v0, v12  }
0x33: {  	v28 =	vmul.f32 v6, v22;
	v26 =	vmul.f32 v2, v22  }
0x34: {  	v33 =	vmul.f32 v9, v63;
	v35 =	vmul.f32 v8, v63  }
0x35: {  	v36 =	vmul.f32 v7, v63;
	v22 =	vmul.f32 v0, v22  }
0x36: {  	v37 =	vmul.f32 v6, v63;
	v38 =	vmul.f32 v5, v63  }
0x37: {  	v39 =	vmul.f32 v4, v63;
	v40 =	vmul.f32 v3, v63  }
0x38: {  	v53 =	vld [tilespmem:s17+$0x300];
	v41 =	vmul.f32 v2, v63;
	v46 =	vmul.f32 v6, v34  }
0x39: {  	v49 =	vmul.f32 v2, v34;
	v55 =	vmul.f32 v6, v44;
	v11 =	vadd.f32 v11, v19  }
0x3a: {  	v10 =	vmul.f32 v9, v10;
	v13 =	vadd.f32 v13, v21;
	v16 =	vadd.f32 v16, v24  }
0x3b: {  	v17 =	vadd.f32 v17, v58;
	v19 =	vadd.f32 v23, v60;
	v24 =	vmul.f32 v0, v34  }
0x3c: {  	v58 =	vmul.f32 v3, v44;
	v14 =	vadd.f32 v14, v56;
	v15 =	vadd.f32 v15, v57  }
0x3d: {  	v60 =	vmul.f32 v9, v53;
	v18 =	vadd.f32 v18, v25;
	v20 =	vadd.f32 v20, v59  }
0x3e: {  	v12 =	vadd.f32 v12, v32;
	v25 =	vmul.f32 v0, v63;
	v56 =	vmul.f32 v5, v44  }
0x3f: {  	v57 =	vmul.f32 v4, v44;
	v13 =	vadd.f32 v13, v61;
	v16 =	vadd.f32 v16, v28  }
0x40: {  	v59 =	vmul.f32 v1, v44;
	v17 =	vadd.f32 v17, v29;
	v19 =	vadd.f32 v19, v26  }
0x41: {  	v32 =	vmul.f32 v5, v53;
	v14 =	vadd.f32 v14, v62;
	v15 =	vadd.f32 v15, v27  }
0x42: {  	v28 =	vmul.f32 v3, v34;
	v18 =	vadd.f32 v18, v30;
	v20 =	vadd.f32 v20, v31  }
0x43: {  	v29 =	vmul.f32 v2, v44;
	v12 =	vadd.f32 v12, v41;
	v21 =	vadd.f32 v25, v50  }
0x44: {  	v26 =	vmul.f32 v0, v44;
	v24 =	vadd.f32 v24, v59;
	v16 =	vadd.f32 v16, v36  }
0x45: {  	v34 =	vmul.f32 v3, v53;
	v17 =	vadd.f32 v17, v37;
	v19 =	vadd.f32 v19, v40  }
0x46: {  	v27 =	vmul.f32 v1, v63;
	v14 =	vadd.f32 v14, v33;
	v15 =	vadd.f32 v15, v35  }
0x47: {  	v30 =	vmul.f32 v1, v53;
	v18 =	vadd.f32 v18, v38;
	v20 =	vadd.f32 v20, v39  }
0x48: {  	v62 =	vmul.f32 v8, v53;
	v22 =	vadd.f32 v22, v27;
	v12 =	vadd.f32 v12, v28  }
0x49: {  	v61 =	vld [tilespmem:s18+$0x0];
	v63 =	vmul.f32 v7, v53;
	v21 =	vadd.f32 v21, v29;
	v37 =	vadd.f32 v26, v30  }
0x4a: {  	v31 =	vmul.f32 v6, v53;
	v16 =	vadd.f32 v16, v43;
	v17 =	vadd.f32 v17, v45  }
0x4b: {  	v33 =	vmul.f32 v4, v53;
	v19 =	vadd.f32 v19, v48;
	v15 =	vadd.f32 v15, v42  }
0x4c: {  	v35 =	vmul.f32 v2, v53;
	v18 =	vadd.f32 v18, v46;
	v20 =	vadd.f32 v20, v47  }
0x4d: {  	v28 =	vmul.f32 v0, v53;
	v22 =	vadd.f32 v22, v49;
	v12 =	vadd.f32 v12, v57  }
0x4e: {  	v21 =	vadd.f32 v21, v34;
	v36 =	vmul.f32 v9, v61;
	v38 =	vmul.f32 v8, v61  }
0x4f: {  	v24 =	vadd.f32 v24, v35;
	v40 =	vmul.f32 v7, v61;
	v41 =	vmul.f32 v6, v61  }
0x50: {  	v39 =	vld [tilespmem:s17+$0x1000];
	v42 =	vmul.f32 v5, v61;
	v43 =	vmul.f32 v4, v61;
	v16 =	vadd.f32 v16, v51  }
0x51: {  	v44 =	vmul.f32 v3, v61;
	v17 =	vadd.f32 v17, v52;
	v19 =	vadd.f32 v19, v56  }
0x52: {  	v45 =	vmul.f32 v2, v61;
	v18 =	vadd.f32 v18, v54;
	v20 =	vadd.f32 v20, v55  }
0x53: {  	v47 =	vmul.f32 v1, v61;
	v22 =	vadd.f32 v22, v58;
	v12 =	vadd.f32 v12, v32  }
0x54: {  	v51 =	vmul.f32 v0, v61;
	v21 =	vadd.f32 v21, v43;
	v24 =	vadd.f32 v24, v44  }
0x55: {  	[tilespmem:s17+$0x4000] =	vst v10;
	v46 =	vld [tilespmem:s17+$0x1080];
	v25 =	vadd.f32 v37, v45;
	v10 =	vadd.f32 v28, v47;
	v48 =	vmul.f32 v9, v39  }
0x56: {  	v17 =	vadd.f32 v17, v60;
	v49 =	vmul.f32 v8, v39;
	v52 =	vmul.f32 v6, v39  }
0x57: {  	[tilespmem:s17+$0x4080] =	vst v11;
	v19 =	vadd.f32 v19, v31;
	v53 =	vmul.f32 v5, v39;
	v55 =	vmul.f32 v4, v39  }
0x58: {  	[tilespmem:s17+$0x4100] =	vst v13;
	v56 =	vmul.f32 v3, v39;
	v59 =	vmul.f32 v2, v39;
	v18 =	vadd.f32 v18, v62  }
0x59: {  	[tilespmem:s19+$0x4000] =	vst v14;
	v60 =	vmul.f32 v1, v39;
	v20 =	vadd.f32 v20, v63;
	v22 =	vadd.f32 v22, v33  }
0x5a: {  	[tilespmem:s17+$0x4200] =	vst v15;
	v12 =	vadd.f32 v12, v41;
	v14 =	vadd.f32 v21, v53;
	v6 =	vmul.f32 v6, v46  }
0x5b: {  	[tilespmem:s17+$0x4280] =	vst v16;
	v57 =	vadd.f32 v24, v55;
	v5 =	vmul.f32 v5, v46;
	v18 =	vadd.f32 v18, v36  }
0x5c: {  	[tilespmem:s17+$0x4300] =	vst v17;
	v58 =	vadd.f32 v25, v56;
	v4 =	vmul.f32 v4, v46;
	v6 =	vadd.f32 v14, v6  }
0x5d: {  	v61 =	vadd.f32 v10, v59;
	v3 =	vmul.f32 v3, v46;
	v5 =	vadd.f32 v57, v5;
	[tilespmem:s18+$0x4000] =	vst v18  }
0x5e: {  	v62 =	vadd.f32 v51, v60;
	v2 =	vmul.f32 v2, v46;
	v4 =	vadd.f32 v58, v4;
	[tilespmem:s17+$0x5200] =	vst v6  }
0x5f: {  	v63 =	vmul.f32 v0, v39;
	v1 =	vmul.f32 v1, v46;
	v3 =	vadd.f32 v61, v3;
	[tilespmem:s17+$0x5280] =	vst v5  }
0x60: {  	v50 =	vmul.f32 v7, v39;
	v19 =	vadd.f32 v19, v40;
	v2 =	vadd.f32 v62, v2;
	[tilespmem:s17+$0x5300] =	vst v4  }
0x61: {  	v8 =	vmul.f32 v8, v46;
	v20 =	vadd.f32 v20, v38;
	v1 =	vadd.f32 v63, v1;
	[tilespmem:s17+$0x5380] =	vst v3  }
0x62: {  	v0 =	vmul.f32 v0, v46;
	v22 =	vadd.f32 v22, v42;
	v12 =	vadd.f32 v12, v50;
	[tilespmem:s17+$0x6000] =	vst v2  }
0x63: {  	p0 =	sne.s32 s16, $0x1F0;
	v9 =	vmul.f32 v9, v46;
	v11 =	vadd.f32 v19, v49;
	v20 =	vadd.f32 v20, v48;
	[tilespmem:s17+$0x6080] =	vst v1  }
.Ltmp0:
0x64: {  	v7 =	vmul.f32 v7, v46;
	v54 =	vadd.f32 v22, v52;
	v8 =	vadd.f32 v12, v8;
	[tilespmem:s17+$0x6100] =	vst v0;
	(pc) =	sbr.rel @p0 .LBB2_2-.Ltmp0, $4  }
0x65: {  	v9 =	vadd.f32 v11, v9;
	[tilespmem:s17+$0x5000] =	vst v20  }
0x66: {  	v7 =	vadd.f32 v54, v7;
	[tilespmem:s17+$0x5100] =	vst v8  }
0x67: {  	[tilespmem:s17+$0x5080] =	vst v9  }
0x68: {  	s15 =	sadd.s32 $0x80, s15;
	s16 =	sadd.s32 $0x10, s16;
	[tilespmem:s17+$0x5180] =	vst v7  }
0x69: {  	s14 =	sadd.s32 $0x1, s14  }
0x6a: {  	p0 =	sne.s32 s14, s6  }
.Ltmp1:
0x6b: {  	_ = 	snop;
	(pc) =	sbr.rel @p0 .LBB2_1-.Ltmp1, $4  }
0x6c: {  	[hbm4b:s5+s7] =	stream.strided.scatter [tilespmem:s12], [sflag:$0x3], $0x3000, s8, s7, $0x38;
	[tilespmem:$0x7000] =	vst v63  }
0x6d: {  	_ =	swait.ge [sflag:s13], $0x3000  }
0x6e: {  	[sflag:s13] =	ssyncset.done $0x0  }
0x6f: {  	[sflag:s13] =	ssyncadd.s32 $0xFFFFD000  }
0x70: {  	_ =	sfence.sel $0x180000  }
0x71: {  	[bflag:$0x0] =	sbarrier.arrive $0xFFFF  }
0x72: {  	p0 =	sne.s32 s1, $0x0;
	_ =	strace $0x90000047  }
0x73: {  	s0 =	sadd.s32 @!p0 $0x100000, s0;
	[bflag:$0x2] =	sbarrier.arrive $0xFFFF  }
0x74: {  	[sflag:s0] =	ssyncadd.tile.s32 @!p0 $0x1;
	_ =	shalt  }
.Lfunc_end2:
_tile_overlayer_lowered:
.L_overlay_start_2:
0x75: {  	(tag) =	ssettag $0x2  }
0x76: {  	s0 =	rddreg [dreg:$0x0];
	s2 =	stileid.u32  }
0x77: {  	s1 =	rddreg [dreg:$0x1];
	p0 =	sne.s32 s2, $0x0  }
0x78: {  	s3 =	rddreg [dreg:$0x2];
	[bflag:$0x3] =	sbarrier.arrive $0xFFFF;
	s2 =	simm.s32 @!p0 $0x1C03  }
0x79: {  	[timem:s3], [sflag:s2] =	dma.local @!p0 [hbm:s0], s1  }
0x7a: {  	s0 =	simm.s32 @!p0 $0x3  }
0x7b: {  	_ =	swait.ge @!p0 [sflag:s0], s1  }
0x7c: {  	s1 =	ssub.s32 @!p0 $0x0, s1;
	[sflag:s0] =	ssyncset.done @!p0 $0x0  }
0x7d: {  	[sflag:s0] =	ssyncadd.s32 @!p0 s1  }
0x7e: {  	[bflag:$0x3] =	sbarrier.arrive $0xFFFF  }
0x7f: {  	_ =	shalt  }

</sc_bundles>
